<compile_context>
chip_gen: v7x
topology: tpu7x:2x2x1
jax: 0.10.2.dev20260603
libtpu: 0.0.44.dev20260713+nightly
codegen_flags: <defaults>
</compile_context>

<pallas_src>
import jax
import jax.numpy as jnp
from jax import lax
from jax.experimental import pallas as pl
from jax.experimental.pallas import tpu as pltpu
from jax.experimental.pallas import tpu_sc as plsc

N = 10000
F = 128
NCLS = 40
N_PAD = 10240
RB = N_PAD // 128

NUM_CORES = 2
NUM_SUBCORES = 16
NW = NUM_CORES * NUM_SUBCORES

E_RAW = 320000
E2 = E_RAW + N
KB = 128
CHUNK = 10368
NB = CHUNK // KB
E_PAD = NW * CHUNK
ROWS_PER_TILE = N_PAD // NUM_SUBCORES

_P = jax.lax.Precision.HIGHEST
_f32 = jnp.float32


def _mm(a, b):
    return jnp.einsum("abk,kc->abc", a, b, precision=_P,
                      preferred_element_type=jnp.float32)


def _bcast_minor(v2d, width):
    return lax.broadcast_in_dim(v2d, (v2d.shape[0], v2d.shape[1], width),
                                (0, 1))



def _tc_layer0(x4_ref, W_ref, A_ref, h_ref, sd_ref):
    h = _mm(x4_ref[...], W_ref[...])
    h_ref[...] = h
    sd_ref[...] = _mm(h, A_ref[...])


def _norm_bn_relu(num_ref, den_ref, mask_ref, bias_ref, gamma_ref, beta_ref):
    num = num_ref[0] + num_ref[1]
    den = jnp.sum(den_ref[...], axis=0)
    m2 = mask_ref[...]
    den = jnp.where(m2 > 0.0, den, 1.0)
    m3 = _bcast_minor(m2, F)
    g = num / _bcast_minor(den, F) + bias_ref[...][None, None, :]
    mean = jnp.sum(jnp.sum(g * m3, axis=0), axis=0) * (1.0 / N)
    d = (g - mean[None, None, :]) * m3
    var = jnp.sum(jnp.sum(d * d, axis=0), axis=0) * (1.0 / N)
    y = d * (gamma_ref[...] * lax.rsqrt(var + 1e-5))[None, None, :] \
        + beta_ref[...][None, None, :]
    return jnp.maximum(y, 0.0) * m3


def _tc_mid(num_ref, den_ref, mask_ref, bias_ref, gamma_ref, beta_ref,
            W_ref, A_ref, h_ref, sd_ref):
    y = _norm_bn_relu(num_ref, den_ref, mask_ref, bias_ref, gamma_ref,
                      beta_ref)
    h = _mm(y, W_ref[...])
    h_ref[...] = h
    sd_ref[...] = _mm(h, A_ref[...])


def _tc_final(num_ref, den_ref, mask_ref, bias_ref, gamma_ref, beta_ref,
              Wc_ref, bc_ref, out_ref):
    y = _norm_bn_relu(num_ref, den_ref, mask_ref, bias_ref, gamma_ref,
                      beta_ref)
    out_ref[...] = _mm(y, Wc_ref[...]) + bc_ref[...][None, None, :]


def _call_layer0(x4, W, A):
    return pl.pallas_call(
        _tc_layer0,
        out_shape=[jax.ShapeDtypeStruct((RB, 128, F), _f32),
                   jax.ShapeDtypeStruct((RB, 128, 2), _f32)],
    )(x4, W, A)


def _call_mid(num, den, mask, bias, gamma, beta, W, A):
    return pl.pallas_call(
        _tc_mid,
        out_shape=[jax.ShapeDtypeStruct((RB, 128, F), _f32),
                   jax.ShapeDtypeStruct((RB, 128, 2), _f32)],
    )(num, den, mask, bias, gamma, beta, W, A)


def _call_final(num, den, mask, bias, gamma, beta, Wc, bc):
    return pl.pallas_call(
        _tc_final,
        out_shape=jax.ShapeDtypeStruct((RB, 128, NCLS), _f32),
    )(num, den, mask, bias, gamma, beta, Wc, bc)



def _sc_body(src_hbm, dst_hbm, s_hbm, d_hbm, h_hbm, zeros_hbm,
             num_hbm, den_hbm,
             num_acc, s_loc, d_loc, den_loc, src_b, dst_b, w_b, rows,
             gsem, ssem):
    cid = lax.axis_index("c")
    sid = lax.axis_index("s")
    wid = cid * NUM_SUBCORES + sid

    pltpu.sync_copy(s_hbm, s_loc)
    pltpu.sync_copy(d_hbm, d_loc)

    @pl.loop(0, N_PAD, step=64)
    def _zero_den(i):
        z = jnp.zeros((16,), _f32)
        den_loc[pl.ds(i, 16)] = z
        den_loc[pl.ds(i + 16, 16)] = z
        den_loc[pl.ds(i + 32, 16)] = z
        den_loc[pl.ds(i + 48, 16)] = z

    row0 = sid * ROWS_PER_TILE
    pltpu.sync_copy(zeros_hbm.at[pl.ds(row0, ROWS_PER_TILE)],
                    num_acc.at[pl.ds(row0, ROWS_PER_TILE)])
    plsc.subcore_barrier()

    base = wid * CHUNK

    @pl.loop(0, NB)
    def _batch(b):
        off = base + b * KB
        pltpu.sync_copy(src_hbm.at[pl.ds(off, KB)], src_b)
        pltpu.sync_copy(dst_hbm.at[pl.ds(off, KB)], dst_b)
        gat = pltpu.async_copy(h_hbm.at[src_b], rows, gsem)

        @pl.loop(0, KB, step=16)
        def _w(g):
            iv_s = src_b[pl.ds(g, 16)]
            iv_d = dst_b[pl.ds(g, 16)]
            ev = plsc.load_gather(s_loc, [iv_s]) + plsc.load_gather(d_loc, [iv_d])
            ev = jnp.where(ev >= 0.0, ev, 0.2 * ev)
            w = jnp.exp(ev)
            w_b[pl.ds(g, 16)] = w
            plsc.addupdate_scatter(den_loc, [iv_d], w)

        gat.wait()

        @pl.loop(0, KB)
        def _scale(e):
            widx = jnp.zeros((16,), jnp.int32) + e
            wv = plsc.load_gather(w_b, [widx])
            for q in range(F // 16):
                rows[e, pl.ds(q * 16, 16)] = rows[e, pl.ds(q * 16, 16)] * wv

        pltpu.async_copy(rows, num_acc.at[dst_b], ssem, add=True).wait()

    plsc.subcore_barrier()

    pltpu.sync_copy(num_acc.at[pl.ds(row0, ROWS_PER_TILE)],
                    num_hbm.at[cid, pl.ds(row0, ROWS_PER_TILE)])
    pltpu.sync_copy(den_loc, den_hbm.at[cid, sid])


import dataclasses
import functools


def _sc_compiler_params():
    cp = pltpu.CompilerParams()
    if "needs_layout_passes" in pltpu.CompilerParams.__dataclass_fields__:
        cp = dataclasses.replace(cp, needs_layout_passes=False)
    return cp


@functools.cache
def _get_sc_gat():
  return pl.kernel(
    _sc_body,
    compiler_params=_sc_compiler_params(),
    out_type=[jax.ShapeDtypeStruct((NUM_CORES, N_PAD, F), _f32),
              jax.ShapeDtypeStruct((NUM_CORES, NUM_SUBCORES, N_PAD), _f32)],
    mesh=plsc.VectorSubcoreMesh(core_axis_name="c", subcore_axis_name="s",
                                num_cores=NUM_CORES,
                                num_subcores=NUM_SUBCORES),
    scratch_types=[
        pltpu.VMEM_SHARED((N_PAD, F), _f32),
        pltpu.VMEM((N_PAD,), _f32),
        pltpu.VMEM((N_PAD,), _f32),
        pltpu.VMEM((N_PAD,), _f32),
        pltpu.VMEM((KB,), jnp.int32),
        pltpu.VMEM((KB,), jnp.int32),
        pltpu.VMEM((KB,), _f32),
        pltpu.VMEM((KB, F), _f32),
        pltpu.SemaphoreType.DMA,
        pltpu.SemaphoreType.DMA,
    ],
  )



def kernel(x, edge_index, edge_weight, W0, a_src0, a_dst0, bias0, gamma0,
           beta0, W1, a_src1, a_dst1, bias1, gamma1, beta1, Wc, bc):
    src = edge_index[0]
    dst = edge_index[1]
    loop = jnp.arange(N, dtype=src.dtype)
    padi = N + jnp.arange(E_PAD - E2, dtype=src.dtype) % (N_PAD - N)
    src_p = jnp.concatenate([src, loop, padi])
    dst_p = jnp.concatenate([dst, loop, padi])

    x4 = jnp.pad(x, ((0, N_PAD - N), (0, 0))).reshape(RB, 128, F)
    zeros = jnp.zeros((N_PAD, F), _f32)
    mask2 = (jnp.arange(N_PAD, dtype=jnp.int32) < N).astype(_f32).reshape(RB, 128)
    A0 = jnp.stack([a_src0, a_dst0], axis=1)
    A1 = jnp.stack([a_src1, a_dst1], axis=1)

    h0_4, sd0 = _call_layer0(x4, W0, A0)
    h0 = h0_4.reshape(N_PAD, F)
    sd0f = sd0.reshape(N_PAD, 2)
    s0 = jnp.copy(sd0f[:, 0])
    d0 = jnp.copy(sd0f[:, 1])
    num0, den0 = _get_sc_gat()(src_p, dst_p, s0, d0, h0, zeros)
    num0_4 = num0.reshape(NUM_CORES, RB, 128, F)
    den0_3 = den0.reshape(NW, RB, 128)

    h1_4, sd1 = _call_mid(num0_4, den0_3, mask2, bias0, gamma0, beta0, W1, A1)
    h1 = h1_4.reshape(N_PAD, F)
    sd1f = sd1.reshape(N_PAD, 2)
    s1 = jnp.copy(sd1f[:, 0])
    d1 = jnp.copy(sd1f[:, 1])
    num1, den1 = _get_sc_gat()(src_p, dst_p, s1, d1, h1, zeros)
    num1_4 = num1.reshape(NUM_CORES, RB, 128, F)
    den1_3 = den1.reshape(NW, RB, 128)

    out4 = _call_final(num1_4, den1_3, mask2, bias1, gamma1, beta1, Wc, bc)
    return out4.reshape(N_PAD, NCLS)[:N]

# --- scband reference (transcript-rebuilt; emitter-appended) ---
"""Pipeline reference for scband-gat-13898514170722 (READ-ONLY COPY).

The authoritative reference and input builder live on the scoring server;
editing this copy changes nothing except your own understanding.
"""

import jax, jax.numpy as jnp
import numpy as np

N = 10000
E = 320000
F_IN = 128
NHID = 128
NCLS = 40


def setup_inputs(seed: int = 0) -> dict:
    key = jax.random.key(seed)
    ks = jax.random.split(key, 24)
    inp = {}
    inp['x'] = jax.random.normal(ks[0], (N, F_IN), dtype=jnp.float32)
    inp['edge_index'] = jax.random.randint(ks[1], (2, E), 0, N, dtype=jnp.int32)
    inp['edge_weight'] = jax.random.uniform(ks[2], (E,), dtype=jnp.float32)
    # GATConv layer 0 (F_IN -> NHID, heads=1, concat=False)
    inp['W0'] = jax.random.normal(ks[3], (F_IN, NHID), dtype=jnp.float32) * 0.05
    inp['a_src0'] = jax.random.normal(ks[4], (NHID,), dtype=jnp.float32) * 0.05
    inp['a_dst0'] = jax.random.normal(ks[5], (NHID,), dtype=jnp.float32) * 0.05
    inp['bias0'] = jnp.zeros((NHID,), dtype=jnp.float32)
    inp['gamma0'] = jnp.ones((NHID,), dtype=jnp.float32)
    inp['beta0'] = jnp.zeros((NHID,), dtype=jnp.float32)
    # GATConv layer 1 (NHID -> NHID)
    inp['W1'] = jax.random.normal(ks[6], (NHID, NHID), dtype=jnp.float32) * 0.05
    inp['a_src1'] = jax.random.normal(ks[7], (NHID,), dtype=jnp.float32) * 0.05
    inp['a_dst1'] = jax.random.normal(ks[8], (NHID,), dtype=jnp.float32) * 0.05
    inp['bias1'] = jnp.zeros((NHID,), dtype=jnp.float32)
    inp['gamma1'] = jnp.ones((NHID,), dtype=jnp.float32)
    inp['beta1'] = jnp.zeros((NHID,), dtype=jnp.float32)
    # classifier
    inp['Wc'] = jax.random.normal(ks[9], (NHID, NCLS), dtype=jnp.float32) * 0.05
    inp['bc'] = jnp.zeros((NCLS,), dtype=jnp.float32)
    return inp


def _gat_conv(x, src, dst, n_nodes, W, a_src, a_dst, bias):
    # PyG GATConv with heads=1, concat=False, add_self_loops=True
    loop = jnp.arange(n_nodes, dtype=src.dtype)
    src = jnp.concatenate([src, loop])
    dst = jnp.concatenate([dst, loop])
    h = x @ W
    alpha_s = (h * a_src).sum(-1)
    alpha_d = (h * a_dst).sum(-1)
    e = alpha_s[src] + alpha_d[dst]
    e = jax.nn.leaky_relu(e, negative_slope=0.2)
    # softmax over incoming edges of each dst node
    e_max = jax.ops.segment_max(e, dst, num_segments=n_nodes)
    e_exp = jnp.exp(e - e_max[dst])
    denom = jax.ops.segment_sum(e_exp, dst, num_segments=n_nodes)
    alpha = e_exp / (denom[dst] + 1e-16)
    out = jax.ops.segment_sum(alpha[:, None] * h[src], dst, num_segments=n_nodes)
    return out + bias


def _batch_norm(x, gamma, beta, eps=1e-5):
    mean = x.mean(axis=0)
    var = x.var(axis=0)
    return (x - mean) / jnp.sqrt(var + eps) * gamma + beta


def reference(x, edge_index, edge_weight, W0, a_src0, a_dst0, bias0, gamma0, beta0,
              W1, a_src1, a_dst1, bias1, gamma1, beta1, Wc, bc):
    n_nodes = x.shape[0]
    src = edge_index[0]
    dst = edge_index[1]
    # layer 0
    h = _gat_conv(x, src, dst, n_nodes, W0, a_src0, a_dst0, bias0)
    h = _batch_norm(h, gamma0, beta0)
    h = jax.nn.relu(h)
    # dropout: eval mode (identity)
    # layer 1
    h = _gat_conv(h, src, dst, n_nodes, W1, a_src1, a_dst1, bias1)
    h = _batch_norm(h, gamma1, beta1)
    h = jax.nn.relu(h)
    # classifier
    out = h @ Wc + bc
    return out

if __name__ == "__main__":
    import jax
    _d = setup_inputs()
    print(jax.jit(kernel)(*tuple(_d.values())))

</pallas_src>

<mosaic_0001>
#map = affine_map<(d0, d1) -> (0)>
#map1 = affine_map<(d0, d1) -> (0, 0)>
#map2 = affine_map<(d0, d1) -> (0, 0, 0)>
module attributes {stable_mosaic.version = 14 : i64} {
  func.func @_sc_body(%arg0: i32, %arg1: i32, %arg2: memref<331776xi32, #tpu.memory_space<hbm>>, %arg3: memref<331776xi32, #tpu.memory_space<hbm>>, %arg4: memref<10240xf32, #tpu.memory_space<hbm>>, %arg5: memref<10240xf32, #tpu.memory_space<hbm>>, %arg6: memref<10240x128xf32, #tpu.memory_space<hbm>>, %arg7: memref<10240x128xf32, #tpu.memory_space<hbm>>, %arg8: memref<2x10240x128xf32, #tpu.memory_space<hbm>>, %arg9: memref<2x16x10240xf32, #tpu.memory_space<hbm>>, %arg10: memref<10240x128xf32, #tpu.memory_space<vmem_shared>>, %arg11: memref<10240xf32, #tpu.memory_space<vmem>>, %arg12: memref<10240xf32, #tpu.memory_space<vmem>>, %arg13: memref<10240xf32, #tpu.memory_space<vmem>>, %arg14: memref<128xi32, #tpu.memory_space<vmem>>, %arg15: memref<128xi32, #tpu.memory_space<vmem>>, %arg16: memref<128xf32, #tpu.memory_space<vmem>>, %arg17: memref<128x128xf32, #tpu.memory_space<vmem>>, %arg18: memref<!tpu.dma_semaphore, #tpu.memory_space<semaphore_mem>>, %arg19: memref<!tpu.dma_semaphore, #tpu.memory_space<semaphore_mem>>) attributes {dimension_semantics = [#tpu.dimension_semantics<core_parallel>, #tpu.dimension_semantics<subcore_parallel>], iteration_bounds = array<i64: 2, 16>, scalar_prefetch = 0 : i64, scratch_operands = 10 : i64, tpu.core_type = #tpu.core_type<sc_vector_subcore>, window_params = [{transform_indices = #map}, {transform_indices = #map}, {transform_indices = #map}, {transform_indices = #map}, {transform_indices = #map1}, {transform_indices = #map1}, {transform_indices = #map2}, {transform_indices = #map2}]} {
    %mul3A = arith.constant 16 : i32
    %mul3A_0 = arith.muli %arg0, %mul3A : i32
    %add3A = arith.addi %mul3A_0, %arg1 : i32
    "tpu.region"() ({
      %run_scoped3A = tpu.sem_alloc : memref<!tpu.dma_semaphore, #tpu.memory_space<semaphore_mem>>
      tpu.enqueue_dma source(%arg4 : memref<10240xf32, #tpu.memory_space<hbm>>) target(%arg11 : memref<10240xf32, #tpu.memory_space<vmem>>) target_semaphore(%run_scoped3A : memref<!tpu.dma_semaphore, #tpu.memory_space<semaphore_mem>>)
      tpu.wait_dma2 semaphore(%run_scoped3A : memref<!tpu.dma_semaphore, #tpu.memory_space<semaphore_mem>>) src(%arg4 : memref<10240xf32, #tpu.memory_space<hbm>>) dst(%arg11 : memref<10240xf32, #tpu.memory_space<vmem>>)
      tpu.yield
    }) : () -> ()
    "tpu.region"() ({
      %run_scoped3A = tpu.sem_alloc : memref<!tpu.dma_semaphore, #tpu.memory_space<semaphore_mem>>
      tpu.enqueue_dma source(%arg5 : memref<10240xf32, #tpu.memory_space<hbm>>) target(%arg12 : memref<10240xf32, #tpu.memory_space<vmem>>) target_semaphore(%run_scoped3A : memref<!tpu.dma_semaphore, #tpu.memory_space<semaphore_mem>>)
      tpu.wait_dma2 semaphore(%run_scoped3A : memref<!tpu.dma_semaphore, #tpu.memory_space<semaphore_mem>>) src(%arg5 : memref<10240xf32, #tpu.memory_space<hbm>>) dst(%arg12 : memref<10240xf32, #tpu.memory_space<vmem>>)
      tpu.yield
    }) : () -> ()
    %scan3A = arith.constant 0 : i32
    %scan3A_1 = arith.constant 160 : i32
    %scan3A_2 = arith.addi %scan3A, %scan3A_1 : i32
    %scan3A_3 = arith.constant 1 : i32
    scf.for %scan3A_15 = %scan3A to %scan3A_2 step %scan3A_3  : i32 {
      %mul3A_16 = arith.constant 64 : i32
      %mul3A_17 = arith.muli %scan3A_15, %mul3A_16 : i32
      %add3A_18 = arith.constant 0 : i32
      %add3A_19 = arith.addi %add3A_18, %mul3A_17 : i32
      %broadcast_in_dim3A = arith.constant 0.000000e+00 : f32
      %broadcast_in_dim3A_20 = vector.broadcast %broadcast_in_dim3A : f32 to vector<16xf32>
      %swap3A = arith.index_cast %add3A_19 : i32 to index
      %swap3A_21 = tpu.vector_load %arg13[%swap3A] {strides = array<i32>} : memref<10240xf32, #tpu.memory_space<vmem>>, vector<16xf32>,
      tpu.vector_store %arg13[%swap3A], %broadcast_in_dim3A_20 {strides = array<i32>} : memref<10240xf32, #tpu.memory_space<vmem>>, vector<16xf32>,
      %add3A_22 = arith.constant 16 : i32
      %add3A_23 = arith.addi %add3A_19, %add3A_22 : i32
      %swap3A_24 = arith.index_cast %add3A_23 : i32 to index
      %swap3A_25 = tpu.vector_load %arg13[%swap3A_24] {strides = array<i32>} : memref<10240xf32, #tpu.memory_space<vmem>>, vector<16xf32>,
      tpu.vector_store %arg13[%swap3A_24], %broadcast_in_dim3A_20 {strides = array<i32>} : memref<10240xf32, #tpu.memory_space<vmem>>, vector<16xf32>,
      %add3A_26 = arith.constant 32 : i32
      %add3A_27 = arith.addi %add3A_19, %add3A_26 : i32
      %swap3A_28 = arith.index_cast %add3A_27 : i32 to index
      %swap3A_29 = tpu.vector_load %arg13[%swap3A_28] {strides = array<i32>} : memref<10240xf32, #tpu.memory_space<vmem>>, vector<16xf32>,
      tpu.vector_store %arg13[%swap3A_28], %broadcast_in_dim3A_20 {strides = array<i32>} : memref<10240xf32, #tpu.memory_space<vmem>>, vector<16xf32>,
      %add3A_30 = arith.constant 48 : i32
      %add3A_31 = arith.addi %add3A_19, %add3A_30 : i32
      %swap3A_32 = arith.index_cast %add3A_31 : i32 to index
      %swap3A_33 = tpu.vector_load %arg13[%swap3A_32] {strides = array<i32>} : memref<10240xf32, #tpu.memory_space<vmem>>, vector<16xf32>,
      tpu.vector_store %arg13[%swap3A_32], %broadcast_in_dim3A_20 {strides = array<i32>} : memref<10240xf32, #tpu.memory_space<vmem>>, vector<16xf32>,
    }
    %scan3A_4 = arith.constant 160 : i32
    %mul3A_5 = arith.constant 640 : i32
    %mul3A_6 = arith.muli %arg1, %mul3A_5 : i32
    "tpu.region"() ({
      %run_scoped3A = tpu.sem_alloc : memref<!tpu.dma_semaphore, #tpu.memory_space<semaphore_mem>>
      %dma_start3A = arith.constant 0 : i32
      %dma_start3A_15 = tpu.memref_slice %arg10[%mul3A_6, %dma_start3A] : memref<10240x128xf32, #tpu.memory_space<vmem_shared>> -> memref<640x128xf32, #tpu.memory_space<vmem_shared>>
      %dma_start3A_16 = arith.constant 0 : i32
      %dma_start3A_17 = tpu.memref_slice %arg7[%mul3A_6, %dma_start3A_16] : memref<10240x128xf32, #tpu.memory_space<hbm>> -> memref<640x128xf32, #tpu.memory_space<hbm>>
      tpu.enqueue_dma source(%dma_start3A_17 : memref<640x128xf32, #tpu.memory_space<hbm>>) target(%dma_start3A_15 : memref<640x128xf32, #tpu.memory_space<vmem_shared>>) target_semaphore(%run_scoped3A : memref<!tpu.dma_semaphore, #tpu.memory_space<semaphore_mem>>)
      %dma_wait3A = arith.constant 0 : i32
      %dma_wait3A_18 = tpu.memref_slice %arg10[%mul3A_6, %dma_wait3A] : memref<10240x128xf32, #tpu.memory_space<vmem_shared>> -> memref<640x128xf32, #tpu.memory_space<vmem_shared>>
      %dma_wait3A_19 = arith.constant 0 : i32
      %dma_wait3A_20 = tpu.memref_slice %arg7[%mul3A_6, %dma_wait3A_19] : memref<10240x128xf32, #tpu.memory_space<hbm>> -> memref<640x128xf32, #tpu.memory_space<hbm>>
      tpu.wait_dma2 semaphore(%run_scoped3A : memref<!tpu.dma_semaphore, #tpu.memory_space<semaphore_mem>>) src(%dma_wait3A_20 : memref<640x128xf32, #tpu.memory_space<hbm>>) dst(%dma_wait3A_18 : memref<640x128xf32, #tpu.memory_space<vmem_shared>>)
      tpu.yield
    }) : () -> ()
    %barrier3A = arith.constant 0 : index
    tpu.barrier barrier_id(%barrier3A)
    %mul3A_7 = arith.constant 10368 : i32
    %mul3A_8 = arith.muli %add3A, %mul3A_7 : i32
    %scan3A_9 = arith.constant 0 : i32
    %scan3A_10 = arith.constant 81 : i32
    %scan3A_11 = arith.addi %scan3A_9, %scan3A_10 : i32
    %scan3A_12 = arith.constant 1 : i32
    scf.for %scan3A_15 = %scan3A_9 to %scan3A_11 step %scan3A_12  : i32 {
      %mul3A_16 = arith.constant 1 : i32
      %mul3A_17 = arith.muli %scan3A_15, %mul3A_16 : i32
      %add3A_18 = arith.constant 0 : i32
      %add3A_19 = arith.addi %add3A_18, %mul3A_17 : i32
      %mul3A_20 = arith.constant 128 : i32
      %mul3A_21 = arith.muli %add3A_19, %mul3A_20 : i32
      %add3A_22 = arith.addi %mul3A_8, %mul3A_21 : i32
      "tpu.region"() ({
        %run_scoped3A = tpu.sem_alloc : memref<!tpu.dma_semaphore, #tpu.memory_space<semaphore_mem>>
        %dma_start3A_43 = tpu.memref_slice %arg2[%add3A_22] : memref<331776xi32, #tpu.memory_space<hbm>> -> memref<128xi32, #tpu.memory_space<hbm>>
        %dma_start3A_44 = tpu.memref_slice %arg2[%add3A_22] : memref<331776xi32, #tpu.memory_space<hbm>> -> memref<128xi32, #tpu.memory_space<hbm>>
        tpu.enqueue_dma source(%dma_start3A_44 : memref<128xi32, #tpu.memory_space<hbm>>) target(%arg14 : memref<128xi32, #tpu.memory_space<vmem>>) target_semaphore(%run_scoped3A : memref<!tpu.dma_semaphore, #tpu.memory_space<semaphore_mem>>)
        %dma_wait3A_45 = tpu.memref_slice %arg2[%add3A_22] : memref<331776xi32, #tpu.memory_space<hbm>> -> memref<128xi32, #tpu.memory_space<hbm>>
        %dma_wait3A_46 = tpu.memref_slice %arg2[%add3A_22] : memref<331776xi32, #tpu.memory_space<hbm>> -> memref<128xi32, #tpu.memory_space<hbm>>
        tpu.wait_dma2 semaphore(%run_scoped3A : memref<!tpu.dma_semaphore, #tpu.memory_space<semaphore_mem>>) src(%dma_wait3A_46 : memref<128xi32, #tpu.memory_space<hbm>>) dst(%arg14 : memref<128xi32, #tpu.memory_space<vmem>>)
        tpu.yield
      }) : () -> ()
      "tpu.region"() ({
        %run_scoped3A = tpu.sem_alloc : memref<!tpu.dma_semaphore, #tpu.memory_space<semaphore_mem>>
        %dma_start3A_43 = tpu.memref_slice %arg3[%add3A_22] : memref<331776xi32, #tpu.memory_space<hbm>> -> memref<128xi32, #tpu.memory_space<hbm>>
        %dma_start3A_44 = tpu.memref_slice %arg3[%add3A_22] : memref<331776xi32, #tpu.memory_space<hbm>> -> memref<128xi32, #tpu.memory_space<hbm>>
        tpu.enqueue_dma source(%dma_start3A_44 : memref<128xi32, #tpu.memory_space<hbm>>) target(%arg15 : memref<128xi32, #tpu.memory_space<vmem>>) target_semaphore(%run_scoped3A : memref<!tpu.dma_semaphore, #tpu.memory_space<semaphore_mem>>)
        %dma_wait3A_45 = tpu.memref_slice %arg3[%add3A_22] : memref<331776xi32, #tpu.memory_space<hbm>> -> memref<128xi32, #tpu.memory_space<hbm>>
        %dma_wait3A_46 = tpu.memref_slice %arg3[%add3A_22] : memref<331776xi32, #tpu.memory_space<hbm>> -> memref<128xi32, #tpu.memory_space<hbm>>
        tpu.wait_dma2 semaphore(%run_scoped3A : memref<!tpu.dma_semaphore, #tpu.memory_space<semaphore_mem>>) src(%dma_wait3A_46 : memref<128xi32, #tpu.memory_space<hbm>>) dst(%arg15 : memref<128xi32, #tpu.memory_space<vmem>>)
        tpu.yield
      }) : () -> ()
      %dma_start3A = arith.constant 0 : i32
      %dma_start3A_23 = arith.constant 0 : i32
      %dma_start3A_24 = tpu.memref_slice %arg6[%dma_start3A, %dma_start3A_23] : memref<10240x128xf32, #tpu.memory_space<hbm>> -> memref<10240x128xf32, #tpu.memory_space<hbm>>
      tpu.enqueue_indirect_dma source(%dma_start3A_24 : memref<10240x128xf32, #tpu.memory_space<hbm>>) target(%arg17 : memref<128x128xf32, #tpu.memory_space<vmem>>) offsets(%arg14 : memref<128xi32, #tpu.memory_space<vmem>>) semaphore(%arg18 : memref<!tpu.dma_semaphore, #tpu.memory_space<semaphore_mem>>)
      %scan3A_25 = arith.constant 0 : i32
      %scan3A_26 = arith.constant 8 : i32
      %scan3A_27 = arith.addi %scan3A_25, %scan3A_26 : i32
      %scan3A_28 = arith.constant 1 : i32
      scf.for %scan3A_43 = %scan3A_25 to %scan3A_27 step %scan3A_28  : i32 {
        %mul3A_44 = arith.constant 16 : i32
        %mul3A_45 = arith.muli %scan3A_43, %mul3A_44 : i32
        %add3A_46 = arith.constant 0 : i32
        %add3A_47 = arith.addi %add3A_46, %mul3A_45 : i32
        %get3A = arith.index_cast %add3A_47 : i32 to index
        %get3A_48 = tpu.vector_load %arg14[%get3A] {strides = array<i32>} : memref<128xi32, #tpu.memory_space<vmem>>, vector<16xi32>,
        %get3A_49 = arith.index_cast %add3A_47 : i32 to index
        %get3A_50 = tpu.vector_load %arg15[%get3A_49] {strides = array<i32>} : memref<128xi32, #tpu.memory_space<vmem>>, vector<16xi32>,
        %gather3A = tpu.vector_load_idx %arg11[%get3A_48] : memref<10240xf32, #tpu.memory_space<vmem>>[vector<16xi32>], vector<16xf32>,
        %gather3A_51 = tpu.vector_load_idx %arg12[%get3A_50] : memref<10240xf32, #tpu.memory_space<vmem>>[vector<16xi32>], vector<16xf32>,
        %add3A_52 = arith.addf %gather3A, %gather3A_51 : vector<16xf32>
        %ge3A = arith.constant 0.000000e+00 : f32
        %ge3A_53 = vector.broadcast %ge3A : f32 to vector<16xf32>
        %ge3A_54 = arith.cmpf oge, %add3A_52, %ge3A_53 : vector<16xf32>
        %mul3A_55 = arith.constant 2.000000e-01 : f32
        %mul3A_56 = vector.broadcast %mul3A_55 : f32 to vector<16xf32>
        %mul3A_57 = arith.mulf %mul3A_56, %add3A_52 : vector<16xf32>
        %select_n3A = arith.select %ge3A_54, %add3A_52, %mul3A_57 : vector<16xi1>, vector<16xf32>
        %exp3A = math.exp %select_n3A : vector<16xf32>
        %swap3A = arith.index_cast %add3A_47 : i32 to index
        %swap3A_58 = tpu.vector_load %arg16[%swap3A] {strides = array<i32>} : memref<128xf32, #tpu.memory_space<vmem>>, vector<16xf32>,
        tpu.vector_store %arg16[%swap3A], %exp3A {strides = array<i32>} : memref<128xf32, #tpu.memory_space<vmem>>, vector<16xf32>,
        tpu.vector_store_idx %arg13[%get3A_50], %exp3A {add = true} : memref<10240xf32, #tpu.memory_space<vmem>>[vector<16xi32>], vector<16xf32>,
      }
      %scan3A_29 = arith.constant 8 : i32
      %dma_wait3A = arith.constant 0 : i32
      %dma_wait3A_30 = arith.constant 0 : i32
      %dma_wait3A_31 = tpu.memref_slice %arg6[%dma_wait3A, %dma_wait3A_30] : memref<10240x128xf32, #tpu.memory_space<hbm>> -> memref<10240x128xf32, #tpu.memory_space<hbm>>
      tpu.wait_indirect_dma semaphore(%arg18 : memref<!tpu.dma_semaphore, #tpu.memory_space<semaphore_mem>>) src(%dma_wait3A_31 : memref<10240x128xf32, #tpu.memory_space<hbm>>) dst(%arg17 : memref<128x128xf32, #tpu.memory_space<vmem>>)
      %scan3A_32 = arith.constant 0 : i32
      %scan3A_33 = arith.constant 128 : i32
      %scan3A_34 = arith.addi %scan3A_32, %scan3A_33 : i32
      %scan3A_35 = arith.constant 1 : i32
      scf.for %scan3A_43 = %scan3A_32 to %scan3A_34 step %scan3A_35  : i32 {
        %mul3A_44 = arith.constant 1 : i32
        %mul3A_45 = arith.muli %scan3A_43, %mul3A_44 : i32
        %add3A_46 = arith.constant 0 : i32
        %add3A_47 = arith.addi %add3A_46, %mul3A_45 : i32
        %broadcast_in_dim3A = arith.constant 0 : i32
        %broadcast_in_dim3A_48 = vector.broadcast %broadcast_in_dim3A : i32 to vector<16xi32>
        %add3A_49 = vector.broadcast %add3A_47 : i32 to vector<16xi32>
        %add3A_50 = arith.addi %broadcast_in_dim3A_48, %add3A_49 : vector<16xi32>
        %gather3A = tpu.vector_load_idx %arg16[%add3A_50] : memref<128xf32, #tpu.memory_space<vmem>>[vector<16xi32>], vector<16xf32>,
        %get3A = arith.index_cast %add3A_47 : i32 to index
        %get3A_51 = arith.constant 0 : index
        %get3A_52 = tpu.vector_load %arg17[%get3A, %get3A_51] {strides = array<i32>} : memref<128x128xf32, #tpu.memory_space<vmem>>, vector<16xf32>,
        %mul3A_53 = arith.mulf %get3A_52, %gather3A : vector<16xf32>
        %swap3A = arith.index_cast %add3A_47 : i32 to index
        %swap3A_54 = arith.constant 0 : index
        %swap3A_55 = tpu.vector_load %arg17[%swap3A, %swap3A_54] {strides = array<i32>} : memref<128x128xf32, #tpu.memory_space<vmem>>, vector<16xf32>,
        tpu.vector_store %arg17[%swap3A, %swap3A_54], %mul3A_53 {strides = array<i32>} : memref<128x128xf32, #tpu.memory_space<vmem>>, vector<16xf32>,
        %get3A_56 = arith.index_cast %add3A_47 : i32 to index
        %get3A_57 = arith.constant 16 : index
        %get3A_58 = tpu.vector_load %arg17[%get3A_56, %get3A_57] {strides = array<i32>} : memref<128x128xf32, #tpu.memory_space<vmem>>, vector<16xf32>,
        %mul3A_59 = arith.mulf %get3A_58, %gather3A : vector<16xf32>
        %swap3A_60 = arith.index_cast %add3A_47 : i32 to index
        %swap3A_61 = arith.constant 16 : index
        %swap3A_62 = tpu.vector_load %arg17[%swap3A_60, %swap3A_61] {strides = array<i32>} : memref<128x128xf32, #tpu.memory_space<vmem>>, vector<16xf32>,
        tpu.vector_store %arg17[%swap3A_60, %swap3A_61], %mul3A_59 {strides = array<i32>} : memref<128x128xf32, #tpu.memory_space<vmem>>, vector<16xf32>,
        %get3A_63 = arith.index_cast %add3A_47 : i32 to index
        %get3A_64 = arith.constant 32 : index
        %get3A_65 = tpu.vector_load %arg17[%get3A_63, %get3A_64] {strides = array<i32>} : memref<128x128xf32, #tpu.memory_space<vmem>>, vector<16xf32>,
        %mul3A_66 = arith.mulf %get3A_65, %gather3A : vector<16xf32>
        %swap3A_67 = arith.index_cast %add3A_47 : i32 to index
        %swap3A_68 = arith.constant 32 : index
        %swap3A_69 = tpu.vector_load %arg17[%swap3A_67, %swap3A_68] {strides = array<i32>} : memref<128x128xf32, #tpu.memory_space<vmem>>, vector<16xf32>,
        tpu.vector_store %arg17[%swap3A_67, %swap3A_68], %mul3A_66 {strides = array<i32>} : memref<128x128xf32, #tpu.memory_space<vmem>>, vector<16xf32>,
        %get3A_70 = arith.index_cast %add3A_47 : i32 to index
        %get3A_71 = arith.constant 48 : index
        %get3A_72 = tpu.vector_load %arg17[%get3A_70, %get3A_71] {strides = array<i32>} : memref<128x128xf32, #tpu.memory_space<vmem>>, vector<16xf32>,
        %mul3A_73 = arith.mulf %get3A_72, %gather3A : vector<16xf32>
        %swap3A_74 = arith.index_cast %add3A_47 : i32 to index
        %swap3A_75 = arith.constant 48 : index
        %swap3A_76 = tpu.vector_load %arg17[%swap3A_74, %swap3A_75] {strides = array<i32>} : memref<128x128xf32, #tpu.memory_space<vmem>>, vector<16xf32>,
        tpu.vector_store %arg17[%swap3A_74, %swap3A_75], %mul3A_73 {strides = array<i32>} : memref<128x128xf32, #tpu.memory_space<vmem>>, vector<16xf32>,
        %get3A_77 = arith.index_cast %add3A_47 : i32 to index
        %get3A_78 = arith.constant 64 : index
        %get3A_79 = tpu.vector_load %arg17[%get3A_77, %get3A_78] {strides = array<i32>} : memref<128x128xf32, #tpu.memory_space<vmem>>, vector<16xf32>,
        %mul3A_80 = arith.mulf %get3A_79, %gather3A : vector<16xf32>
        %swap3A_81 = arith.index_cast %add3A_47 : i32 to index
        %swap3A_82 = arith.constant 64 : index
        %swap3A_83 = tpu.vector_load %arg17[%swap3A_81, %swap3A_82] {strides = array<i32>} : memref<128x128xf32, #tpu.memory_space<vmem>>, vector<16xf32>,
        tpu.vector_store %arg17[%swap3A_81, %swap3A_82], %mul3A_80 {strides = array<i32>} : memref<128x128xf32, #tpu.memory_space<vmem>>, vector<16xf32>,
        %get3A_84 = arith.index_cast %add3A_47 : i32 to index
        %get3A_85 = arith.constant 80 : index
        %get3A_86 = tpu.vector_load %arg17[%get3A_84, %get3A_85] {strides = array<i32>} : memref<128x128xf32, #tpu.memory_space<vmem>>, vector<16xf32>,
        %mul3A_87 = arith.mulf %get3A_86, %gather3A : vector<16xf32>
        %swap3A_88 = arith.index_cast %add3A_47 : i32 to index
        %swap3A_89 = arith.constant 80 : index
        %swap3A_90 = tpu.vector_load %arg17[%swap3A_88, %swap3A_89] {strides = array<i32>} : memref<128x128xf32, #tpu.memory_space<vmem>>, vector<16xf32>,
        tpu.vector_store %arg17[%swap3A_88, %swap3A_89], %mul3A_87 {strides = array<i32>} : memref<128x128xf32, #tpu.memory_space<vmem>>, vector<16xf32>,
        %get3A_91 = arith.index_cast %add3A_47 : i32 to index
        %get3A_92 = arith.constant 96 : index
        %get3A_93 = tpu.vector_load %arg17[%get3A_91, %get3A_92] {strides = array<i32>} : memref<128x128xf32, #tpu.memory_space<vmem>>, vector<16xf32>,
        %mul3A_94 = arith.mulf %get3A_93, %gather3A : vector<16xf32>
        %swap3A_95 = arith.index_cast %add3A_47 : i32 to index
        %swap3A_96 = arith.constant 96 : index
        %swap3A_97 = tpu.vector_load %arg17[%swap3A_95, %swap3A_96] {strides = array<i32>} : memref<128x128xf32, #tpu.memory_space<vmem>>, vector<16xf32>,
        tpu.vector_store %arg17[%swap3A_95, %swap3A_96], %mul3A_94 {strides = array<i32>} : memref<128x128xf32, #tpu.memory_space<vmem>>, vector<16xf32>,
        %get3A_98 = arith.index_cast %add3A_47 : i32 to index
        %get3A_99 = arith.constant 112 : index
        %get3A_100 = tpu.vector_load %arg17[%get3A_98, %get3A_99] {strides = array<i32>} : memref<128x128xf32, #tpu.memory_space<vmem>>, vector<16xf32>,
        %mul3A_101 = arith.mulf %get3A_100, %gather3A : vector<16xf32>
        %swap3A_102 = arith.index_cast %add3A_47 : i32 to index
        %swap3A_103 = arith.constant 112 : index
        %swap3A_104 = tpu.vector_load %arg17[%swap3A_102, %swap3A_103] {strides = array<i32>} : memref<128x128xf32, #tpu.memory_space<vmem>>, vector<16xf32>,
        tpu.vector_store %arg17[%swap3A_102, %swap3A_103], %mul3A_101 {strides = array<i32>} : memref<128x128xf32, #tpu.memory_space<vmem>>, vector<16xf32>,
      }
      %scan3A_36 = arith.constant 128 : i32
      %dma_start3A_37 = arith.constant 0 : i32
      %dma_start3A_38 = arith.constant 0 : i32
      %dma_start3A_39 = tpu.memref_slice %arg10[%dma_start3A_37, %dma_start3A_38] : memref<10240x128xf32, #tpu.memory_space<vmem_shared>> -> memref<10240x128xf32, #tpu.memory_space<vmem_shared>>
      tpu.enqueue_indirect_dma source(%arg17 : memref<128x128xf32, #tpu.memory_space<vmem>>) target(%dma_start3A_39 : memref<10240x128xf32, #tpu.memory_space<vmem_shared>>) offsets(%arg15 : memref<128xi32, #tpu.memory_space<vmem>>) semaphore(%arg19 : memref<!tpu.dma_semaphore, #tpu.memory_space<semaphore_mem>>) {add = true}
      %dma_wait3A_40 = arith.constant 0 : i32
      %dma_wait3A_41 = arith.constant 0 : i32
      %dma_wait3A_42 = tpu.memref_slice %arg10[%dma_wait3A_40, %dma_wait3A_41] : memref<10240x128xf32, #tpu.memory_space<vmem_shared>> -> memref<10240x128xf32, #tpu.memory_space<vmem_shared>>
      tpu.wait_indirect_dma semaphore(%arg19 : memref<!tpu.dma_semaphore, #tpu.memory_space<semaphore_mem>>) src(%arg17 : memref<128x128xf32, #tpu.memory_space<vmem>>) dst(%dma_wait3A_42 : memref<10240x128xf32, #tpu.memory_space<vmem_shared>>)
    }
    %scan3A_13 = arith.constant 81 : i32
    %barrier3A_14 = arith.constant 0 : index
    tpu.barrier barrier_id(%barrier3A_14)
    "tpu.region"() ({
      %run_scoped3A = tpu.sem_alloc : memref<!tpu.dma_semaphore, #tpu.memory_space<semaphore_mem>>
      %dma_start3A = arith.constant 0 : i32
      %dma_start3A_15 = tpu.memref_slice %arg8[%arg0, %mul3A_6, %dma_start3A] : memref<2x10240x128xf32, #tpu.memory_space<hbm>> -> memref<1x640x128xf32, #tpu.memory_space<hbm>>
      %dma_start3A_16 = tpu.memref_squeeze %dma_start3A_15 : memref<1x640x128xf32, #tpu.memory_space<hbm>> -> memref<640x128xf32, #tpu.memory_space<hbm>>
      %dma_start3A_17 = arith.constant 0 : i32
      %dma_start3A_18 = tpu.memref_slice %arg10[%mul3A_6, %dma_start3A_17] : memref<10240x128xf32, #tpu.memory_space<vmem_shared>> -> memref<640x128xf32, #tpu.memory_space<vmem_shared>>
      tpu.enqueue_dma source(%dma_start3A_18 : memref<640x128xf32, #tpu.memory_space<vmem_shared>>) target(%dma_start3A_16 : memref<640x128xf32, #tpu.memory_space<hbm>>) target_semaphore(%run_scoped3A : memref<!tpu.dma_semaphore, #tpu.memory_space<semaphore_mem>>)
      %dma_wait3A = arith.constant 0 : i32
      %dma_wait3A_19 = tpu.memref_slice %arg8[%arg0, %mul3A_6, %dma_wait3A] : memref<2x10240x128xf32, #tpu.memory_space<hbm>> -> memref<1x640x128xf32, #tpu.memory_space<hbm>>
      %dma_wait3A_20 = tpu.memref_squeeze %dma_wait3A_19 : memref<1x640x128xf32, #tpu.memory_space<hbm>> -> memref<640x128xf32, #tpu.memory_space<hbm>>
      %dma_wait3A_21 = arith.constant 0 : i32
      %dma_wait3A_22 = tpu.memref_slice %arg10[%mul3A_6, %dma_wait3A_21] : memref<10240x128xf32, #tpu.memory_space<vmem_shared>> -> memref<640x128xf32, #tpu.memory_space<vmem_shared>>
      tpu.wait_dma2 semaphore(%run_scoped3A : memref<!tpu.dma_semaphore, #tpu.memory_space<semaphore_mem>>) src(%dma_wait3A_22 : memref<640x128xf32, #tpu.memory_space<vmem_shared>>) dst(%dma_wait3A_20 : memref<640x128xf32, #tpu.memory_space<hbm>>)
      tpu.yield
    }) : () -> ()
    "tpu.region"() ({
      %run_scoped3A = tpu.sem_alloc : memref<!tpu.dma_semaphore, #tpu.memory_space<semaphore_mem>>
      %dma_start3A = arith.constant 0 : i32
      %dma_start3A_15 = tpu.memref_slice %arg9[%arg0, %arg1, %dma_start3A] : memref<2x16x10240xf32, #tpu.memory_space<hbm>> -> memref<1x1x10240xf32, #tpu.memory_space<hbm>>
      %dma_start3A_16 = tpu.memref_squeeze %dma_start3A_15 : memref<1x1x10240xf32, #tpu.memory_space<hbm>> -> memref<10240xf32, #tpu.memory_space<hbm>>
      %dma_start3A_17 = arith.constant 0 : i32
      %dma_start3A_18 = tpu.memref_slice %arg9[%arg0, %arg1, %dma_start3A_17] : memref<2x16x10240xf32, #tpu.memory_space<hbm>> -> memref<1x1x10240xf32, #tpu.memory_space<hbm>>
      %dma_start3A_19 = tpu.memref_squeeze %dma_start3A_18 : memref<1x1x10240xf32, #tpu.memory_space<hbm>> -> memref<10240xf32, #tpu.memory_space<hbm>>
      tpu.enqueue_dma source(%arg13 : memref<10240xf32, #tpu.memory_space<vmem>>) target(%dma_start3A_19 : memref<10240xf32, #tpu.memory_space<hbm>>) target_semaphore(%run_scoped3A : memref<!tpu.dma_semaphore, #tpu.memory_space<semaphore_mem>>)
      %dma_wait3A = arith.constant 0 : i32
      %dma_wait3A_20 = tpu.memref_slice %arg9[%arg0, %arg1, %dma_wait3A] : memref<2x16x10240xf32, #tpu.memory_space<hbm>> -> memref<1x1x10240xf32, #tpu.memory_space<hbm>>
      %dma_wait3A_21 = tpu.memref_squeeze %dma_wait3A_20 : memref<1x1x10240xf32, #tpu.memory_space<hbm>> -> memref<10240xf32, #tpu.memory_space<hbm>>
      %dma_wait3A_22 = arith.constant 0 : i32
      %dma_wait3A_23 = tpu.memref_slice %arg9[%arg0, %arg1, %dma_wait3A_22] : memref<2x16x10240xf32, #tpu.memory_space<hbm>> -> memref<1x1x10240xf32, #tpu.memory_space<hbm>>
      %dma_wait3A_24 = tpu.memref_squeeze %dma_wait3A_23 : memref<1x1x10240xf32, #tpu.memory_space<hbm>> -> memref<10240xf32, #tpu.memory_space<hbm>>
      tpu.wait_dma2 semaphore(%run_scoped3A : memref<!tpu.dma_semaphore, #tpu.memory_space<semaphore_mem>>) src(%arg13 : memref<10240xf32, #tpu.memory_space<vmem>>) dst(%dma_wait3A_24 : memref<10240xf32, #tpu.memory_space<hbm>>)
      tpu.yield
    }) : () -> ()
    return
  }
}

#map = affine_map<(d0, d1) -> (0)>
#map1 = affine_map<(d0, d1) -> (0, 0)>
#map2 = affine_map<(d0, d1) -> (0, 0, 0)>
module attributes {stable_mosaic.version = 14 : i64} {
  func.func @_sc_body(%arg0: i32, %arg1: i32, %arg2: memref<331776xi32, #tpu.memory_space<hbm>>, %arg3: memref<331776xi32, #tpu.memory_space<hbm>>, %arg4: memref<10240xf32, #tpu.memory_space<hbm>>, %arg5: memref<10240xf32, #tpu.memory_space<hbm>>, %arg6: memref<10240x128xf32, #tpu.memory_space<hbm>>, %arg7: memref<10240x128xf32, #tpu.memory_space<hbm>>, %arg8: memref<2x10240x128xf32, #tpu.memory_space<hbm>>, %arg9: memref<2x16x10240xf32, #tpu.memory_space<hbm>>, %arg10: memref<10240x128xf32, #tpu.memory_space<vmem_shared>>, %arg11: memref<10240xf32, #tpu.memory_space<vmem>>, %arg12: memref<10240xf32, #tpu.memory_space<vmem>>, %arg13: memref<10240xf32, #tpu.memory_space<vmem>>, %arg14: memref<128xi32, #tpu.memory_space<vmem>>, %arg15: memref<128xi32, #tpu.memory_space<vmem>>, %arg16: memref<128xf32, #tpu.memory_space<vmem>>, %arg17: memref<128x128xf32, #tpu.memory_space<vmem>>, %arg18: memref<!tpu.dma_semaphore, #tpu.memory_space<semaphore_mem>>, %arg19: memref<!tpu.dma_semaphore, #tpu.memory_space<semaphore_mem>>) attributes {dimension_semantics = [#tpu.dimension_semantics<core_parallel>, #tpu.dimension_semantics<subcore_parallel>], iteration_bounds = array<i64: 2, 16>, scalar_prefetch = 0 : i64, scratch_operands = 10 : i64, tpu.core_type = #tpu.core_type<sc_vector_subcore>, window_params = [{transform_indices = #map}, {transform_indices = #map}, {transform_indices = #map}, {transform_indices = #map}, {transform_indices = #map1}, {transform_indices = #map1}, {transform_indices = #map2}, {transform_indices = #map2}]} {
    %mul3A = arith.constant 16 : i32
    %mul3A_0 = arith.muli %arg0, %mul3A : i32
    %add3A = arith.addi %mul3A_0, %arg1 : i32
    "tpu.region"() ({
      %run_scoped3A = tpu.sem_alloc : memref<!tpu.dma_semaphore, #tpu.memory_space<semaphore_mem>>
      tpu.enqueue_dma source(%arg4 : memref<10240xf32, #tpu.memory_space<hbm>>) target(%arg11 : memref<10240xf32, #tpu.memory_space<vmem>>) target_semaphore(%run_scoped3A : memref<!tpu.dma_semaphore, #tpu.memory_space<semaphore_mem>>)
      tpu.wait_dma2 semaphore(%run_scoped3A : memref<!tpu.dma_semaphore, #tpu.memory_space<semaphore_mem>>) src(%arg4 : memref<10240xf32, #tpu.memory_space<hbm>>) dst(%arg11 : memref<10240xf32, #tpu.memory_space<vmem>>)
      tpu.yield
    }) : () -> ()
    "tpu.region"() ({
      %run_scoped3A = tpu.sem_alloc : memref<!tpu.dma_semaphore, #tpu.memory_space<semaphore_mem>>
      tpu.enqueue_dma source(%arg5 : memref<10240xf32, #tpu.memory_space<hbm>>) target(%arg12 : memref<10240xf32, #tpu.memory_space<vmem>>) target_semaphore(%run_scoped3A : memref<!tpu.dma_semaphore, #tpu.memory_space<semaphore_mem>>)
      tpu.wait_dma2 semaphore(%run_scoped3A : memref<!tpu.dma_semaphore, #tpu.memory_space<semaphore_mem>>) src(%arg5 : memref<10240xf32, #tpu.memory_space<hbm>>) dst(%arg12 : memref<10240xf32, #tpu.memory_space<vmem>>)
      tpu.yield
    }) : () -> ()
    %scan3A = arith.constant 0 : i32
    %scan3A_1 = arith.constant 160 : i32
    %scan3A_2 = arith.addi %scan3A, %scan3A_1 : i32
    %scan3A_3 = arith.constant 1 : i32
    scf.for %scan3A_15 = %scan3A to %scan3A_2 step %scan3A_3  : i32 {
      %mul3A_16 = arith.constant 64 : i32
      %mul3A_17 = arith.muli %scan3A_15, %mul3A_16 : i32
      %add3A_18 = arith.constant 0 : i32
      %add3A_19 = arith.addi %add3A_18, %mul3A_17 : i32
      %broadcast_in_dim3A = arith.constant 0.000000e+00 : f32
      %broadcast_in_dim3A_20 = vector.broadcast %broadcast_in_dim3A : f32 to vector<16xf32>
      %swap3A = arith.index_cast %add3A_19 : i32 to index
      %swap3A_21 = tpu.vector_load %arg13[%swap3A] {strides = array<i32>} : memref<10240xf32, #tpu.memory_space<vmem>>, vector<16xf32>,
      tpu.vector_store %arg13[%swap3A], %broadcast_in_dim3A_20 {strides = array<i32>} : memref<10240xf32, #tpu.memory_space<vmem>>, vector<16xf32>,
      %add3A_22 = arith.constant 16 : i32
      %add3A_23 = arith.addi %add3A_19, %add3A_22 : i32
      %swap3A_24 = arith.index_cast %add3A_23 : i32 to index
      %swap3A_25 = tpu.vector_load %arg13[%swap3A_24] {strides = array<i32>} : memref<10240xf32, #tpu.memory_space<vmem>>, vector<16xf32>,
      tpu.vector_store %arg13[%swap3A_24], %broadcast_in_dim3A_20 {strides = array<i32>} : memref<10240xf32, #tpu.memory_space<vmem>>, vector<16xf32>,
      %add3A_26 = arith.constant 32 : i32
      %add3A_27 = arith.addi %add3A_19, %add3A_26 : i32
      %swap3A_28 = arith.index_cast %add3A_27 : i32 to index
      %swap3A_29 = tpu.vector_load %arg13[%swap3A_28] {strides = array<i32>} : memref<10240xf32, #tpu.memory_space<vmem>>, vector<16xf32>,
      tpu.vector_store %arg13[%swap3A_28], %broadcast_in_dim3A_20 {strides = array<i32>} : memref<10240xf32, #tpu.memory_space<vmem>>, vector<16xf32>,
      %add3A_30 = arith.constant 48 : i32
      %add3A_31 = arith.addi %add3A_19, %add3A_30 : i32
      %swap3A_32 = arith.index_cast %add3A_31 : i32 to index
      %swap3A_33 = tpu.vector_load %arg13[%swap3A_32] {strides = array<i32>} : memref<10240xf32, #tpu.memory_space<vmem>>, vector<16xf32>,
      tpu.vector_store %arg13[%swap3A_32], %broadcast_in_dim3A_20 {strides = array<i32>} : memref<10240xf32, #tpu.memory_space<vmem>>, vector<16xf32>,
    }
    %scan3A_4 = arith.constant 160 : i32
    %mul3A_5 = arith.constant 640 : i32
    %mul3A_6 = arith.muli %arg1, %mul3A_5 : i32
    "tpu.region"() ({
      %run_scoped3A = tpu.sem_alloc : memref<!tpu.dma_semaphore, #tpu.memory_space<semaphore_mem>>
      %dma_start3A = arith.constant 0 : i32
      %dma_start3A_15 = tpu.memref_slice %arg10[%mul3A_6, %dma_start3A] : memref<10240x128xf32, #tpu.memory_space<vmem_shared>> -> memref<640x128xf32, #tpu.memory_space<vmem_shared>>
      %dma_start3A_16 = arith.constant 0 : i32
      %dma_start3A_17 = tpu.memref_slice %arg7[%mul3A_6, %dma_start3A_16] : memref<10240x128xf32, #tpu.memory_space<hbm>> -> memref<640x128xf32, #tpu.memory_space<hbm>>
      tpu.enqueue_dma source(%dma_start3A_17 : memref<640x128xf32, #tpu.memory_space<hbm>>) target(%dma_start3A_15 : memref<640x128xf32, #tpu.memory_space<vmem_shared>>) target_semaphore(%run_scoped3A : memref<!tpu.dma_semaphore, #tpu.memory_space<semaphore_mem>>)
      %dma_wait3A = arith.constant 0 : i32
      %dma_wait3A_18 = tpu.memref_slice %arg10[%mul3A_6, %dma_wait3A] : memref<10240x128xf32, #tpu.memory_space<vmem_shared>> -> memref<640x128xf32, #tpu.memory_space<vmem_shared>>
      %dma_wait3A_19 = arith.constant 0 : i32
      %dma_wait3A_20 = tpu.memref_slice %arg7[%mul3A_6, %dma_wait3A_19] : memref<10240x128xf32, #tpu.memory_space<hbm>> -> memref<640x128xf32, #tpu.memory_space<hbm>>
      tpu.wait_dma2 semaphore(%run_scoped3A : memref<!tpu.dma_semaphore, #tpu.memory_space<semaphore_mem>>) src(%dma_wait3A_20 : memref<640x128xf32, #tpu.memory_space<hbm>>) dst(%dma_wait3A_18 : memref<640x128xf32, #tpu.memory_space<vmem_shared>>)
      tpu.yield
    }) : () -> ()
    %barrier3A = arith.constant 0 : index
    tpu.barrier barrier_id(%barrier3A)
    %mul3A_7 = arith.constant 10368 : i32
    %mul3A_8 = arith.muli %add3A, %mul3A_7 : i32
    %scan3A_9 = arith.constant 0 : i32
    %scan3A_10 = arith.constant 81 : i32
    %scan3A_11 = arith.addi %scan3A_9, %scan3A_10 : i32
    %scan3A_12 = arith.constant 1 : i32
    scf.for %scan3A_15 = %scan3A_9 to %scan3A_11 step %scan3A_12  : i32 {
      %mul3A_16 = arith.constant 1 : i32
      %mul3A_17 = arith.muli %scan3A_15, %mul3A_16 : i32
      %add3A_18 = arith.constant 0 : i32
      %add3A_19 = arith.addi %add3A_18, %mul3A_17 : i32
      %mul3A_20 = arith.constant 128 : i32
      %mul3A_21 = arith.muli %add3A_19, %mul3A_20 : i32
      %add3A_22 = arith.addi %mul3A_8, %mul3A_21 : i32
      "tpu.region"() ({
        %run_scoped3A = tpu.sem_alloc : memref<!tpu.dma_semaphore, #tpu.memory_space<semaphore_mem>>
        %dma_start3A_43 = tpu.memref_slice %arg2[%add3A_22] : memref<331776xi32, #tpu.memory_space<hbm>> -> memref<128xi32, #tpu.memory_space<hbm>>
        %dma_start3A_44 = tpu.memref_slice %arg2[%add3A_22] : memref<331776xi32, #tpu.memory_space<hbm>> -> memref<128xi32, #tpu.memory_space<hbm>>
        tpu.enqueue_dma source(%dma_start3A_44 : memref<128xi32, #tpu.memory_space<hbm>>) target(%arg14 : memref<128xi32, #tpu.memory_space<vmem>>) target_semaphore(%run_scoped3A : memref<!tpu.dma_semaphore, #tpu.memory_space<semaphore_mem>>)
        %dma_wait3A_45 = tpu.memref_slice %arg2[%add3A_22] : memref<331776xi32, #tpu.memory_space<hbm>> -> memref<128xi32, #tpu.memory_space<hbm>>
        %dma_wait3A_46 = tpu.memref_slice %arg2[%add3A_22] : memref<331776xi32, #tpu.memory_space<hbm>> -> memref<128xi32, #tpu.memory_space<hbm>>
        tpu.wait_dma2 semaphore(%run_scoped3A : memref<!tpu.dma_semaphore, #tpu.memory_space<semaphore_mem>>) src(%dma_wait3A_46 : memref<128xi32, #tpu.memory_space<hbm>>) dst(%arg14 : memref<128xi32, #tpu.memory_space<vmem>>)
        tpu.yield
      }) : () -> ()
      "tpu.region"() ({
        %run_scoped3A = tpu.sem_alloc : memref<!tpu.dma_semaphore, #tpu.memory_space<semaphore_mem>>
        %dma_start3A_43 = tpu.memref_slice %arg3[%add3A_22] : memref<331776xi32, #tpu.memory_space<hbm>> -> memref<128xi32, #tpu.memory_space<hbm>>
        %dma_start3A_44 = tpu.memref_slice %arg3[%add3A_22] : memref<331776xi32, #tpu.memory_space<hbm>> -> memref<128xi32, #tpu.memory_space<hbm>>
        tpu.enqueue_dma source(%dma_start3A_44 : memref<128xi32, #tpu.memory_space<hbm>>) target(%arg15 : memref<128xi32, #tpu.memory_space<vmem>>) target_semaphore(%run_scoped3A : memref<!tpu.dma_semaphore, #tpu.memory_space<semaphore_mem>>)
        %dma_wait3A_45 = tpu.memref_slice %arg3[%add3A_22] : memref<331776xi32, #tpu.memory_space<hbm>> -> memref<128xi32, #tpu.memory_space<hbm>>
        %dma_wait3A_46 = tpu.memref_slice %arg3[%add3A_22] : memref<331776xi32, #tpu.memory_space<hbm>> -> memref<128xi32, #tpu.memory_space<hbm>>
        tpu.wait_dma2 semaphore(%run_scoped3A : memref<!tpu.dma_semaphore, #tpu.memory_space<semaphore_mem>>) src(%dma_wait3A_46 : memref<128xi32, #tpu.memory_space<hbm>>) dst(%arg15 : memref<128xi32, #tpu.memory_space<vmem>>)
        tpu.yield
      }) : () -> ()
      %dma_start3A = arith.constant 0 : i32
      %dma_start3A_23 = arith.constant 0 : i32
      %dma_start3A_24 = tpu.memref_slice %arg6[%dma_start3A, %dma_start3A_23] : memref<10240x128xf32, #tpu.memory_space<hbm>> -> memref<10240x128xf32, #tpu.memory_space<hbm>>
      tpu.enqueue_indirect_dma source(%dma_start3A_24 : memref<10240x128xf32, #tpu.memory_space<hbm>>) target(%arg17 : memref<128x128xf32, #tpu.memory_space<vmem>>) offsets(%arg14 : memref<128xi32, #tpu.memory_space<vmem>>) semaphore(%arg18 : memref<!tpu.dma_semaphore, #tpu.memory_space<semaphore_mem>>)
      %scan3A_25 = arith.constant 0 : i32
      %scan3A_26 = arith.constant 8 : i32
      %scan3A_27 = arith.addi %scan3A_25, %scan3A_26 : i32
      %scan3A_28 = arith.constant 1 : i32
      scf.for %scan3A_43 = %scan3A_25 to %scan3A_27 step %scan3A_28  : i32 {
        %mul3A_44 = arith.constant 16 : i32
        %mul3A_45 = arith.muli %scan3A_43, %mul3A_44 : i32
        %add3A_46 = arith.constant 0 : i32
        %add3A_47 = arith.addi %add3A_46, %mul3A_45 : i32
        %get3A = arith.index_cast %add3A_47 : i32 to index
        %get3A_48 = tpu.vector_load %arg14[%get3A] {strides = array<i32>} : memref<128xi32, #tpu.memory_space<vmem>>, vector<16xi32>,
        %get3A_49 = arith.index_cast %add3A_47 : i32 to index
        %get3A_50 = tpu.vector_load %arg15[%get3A_49] {strides = array<i32>} : memref<128xi32, #tpu.memory_space<vmem>>, vector<16xi32>,
        %gather3A = tpu.vector_load_idx %arg11[%get3A_48] : memref<10240xf32, #tpu.memory_space<vmem>>[vector<16xi32>], vector<16xf32>,
        %gather3A_51 = tpu.vector_load_idx %arg12[%get3A_50] : memref<10240xf32, #tpu.memory_space<vmem>>[vector<16xi32>], vector<16xf32>,
        %add3A_52 = arith.addf %gather3A, %gather3A_51 : vector<16xf32>
        %ge3A = arith.constant 0.000000e+00 : f32
        %ge3A_53 = vector.broadcast %ge3A : f32 to vector<16xf32>
        %ge3A_54 = arith.cmpf oge, %add3A_52, %ge3A_53 : vector<16xf32>
        %mul3A_55 = arith.constant 2.000000e-01 : f32
        %mul3A_56 = vector.broadcast %mul3A_55 : f32 to vector<16xf32>
        %mul3A_57 = arith.mulf %mul3A_56, %add3A_52 : vector<16xf32>
        %select_n3A = arith.select %ge3A_54, %add3A_52, %mul3A_57 : vector<16xi1>, vector<16xf32>
        %exp3A = math.exp %select_n3A : vector<16xf32>
        %swap3A = arith.index_cast %add3A_47 : i32 to index
        %swap3A_58 = tpu.vector_load %arg16[%swap3A] {strides = array<i32>} : memref<128xf32, #tpu.memory_space<vmem>>, vector<16xf32>,
        tpu.vector_store %arg16[%swap3A], %exp3A {strides = array<i32>} : memref<128xf32, #tpu.memory_space<vmem>>, vector<16xf32>,
        tpu.vector_store_idx %arg13[%get3A_50], %exp3A {add = true} : memref<10240xf32, #tpu.memory_space<vmem>>[vector<16xi32>], vector<16xf32>,
      }
      %scan3A_29 = arith.constant 8 : i32
      %dma_wait3A = arith.constant 0 : i32
      %dma_wait3A_30 = arith.constant 0 : i32
      %dma_wait3A_31 = tpu.memref_slice %arg6[%dma_wait3A, %dma_wait3A_30] : memref<10240x128xf32, #tpu.memory_space<hbm>> -> memref<10240x128xf32, #tpu.memory_space<hbm>>
      tpu.wait_indirect_dma semaphore(%arg18 : memref<!tpu.dma_semaphore, #tpu.memory_space<semaphore_mem>>) src(%dma_wait3A_31 : memref<10240x128xf32, #tpu.memory_space<hbm>>) dst(%arg17 : memref<128x128xf32, #tpu.memory_space<vmem>>)
      %scan3A_32 = arith.constant 0 : i32
      %scan3A_33 = arith.constant 128 : i32
      %scan3A_34 = arith.addi %scan3A_32, %scan3A_33 : i32
      %scan3A_35 = arith.constant 1 : i32
      scf.for %scan3A_43 = %scan3A_32 to %scan3A_34 step %scan3A_35  : i32 {
        %mul3A_44 = arith.constant 1 : i32
        %mul3A_45 = arith.muli %scan3A_43, %mul3A_44 : i32
        %add3A_46 = arith.constant 0 : i32
        %add3A_47 = arith.addi %add3A_46, %mul3A_45 : i32
        %broadcast_in_dim3A = arith.constant 0 : i32
        %broadcast_in_dim3A_48 = vector.broadcast %broadcast_in_dim3A : i32 to vector<16xi32>
        %add3A_49 = vector.broadcast %add3A_47 : i32 to vector<16xi32>
        %add3A_50 = arith.addi %broadcast_in_dim3A_48, %add3A_49 : vector<16xi32>
        %gather3A = tpu.vector_load_idx %arg16[%add3A_50] : memref<128xf32, #tpu.memory_space<vmem>>[vector<16xi32>], vector<16xf32>,
        %get3A = arith.index_cast %add3A_47 : i32 to index
        %get3A_51 = arith.constant 0 : index
        %get3A_52 = tpu.vector_load %arg17[%get3A, %get3A_51] {strides = array<i32>} : memref<128x128xf32, #tpu.memory_space<vmem>>, vector<16xf32>,
        %mul3A_53 = arith.mulf %get3A_52, %gather3A : vector<16xf32>
        %swap3A = arith.index_cast %add3A_47 : i32 to index
        %swap3A_54 = arith.constant 0 : index
        %swap3A_55 = tpu.vector_load %arg17[%swap3A, %swap3A_54] {strides = array<i32>} : memref<128x128xf32, #tpu.memory_space<vmem>>, vector<16xf32>,
        tpu.vector_store %arg17[%swap3A, %swap3A_54], %mul3A_53 {strides = array<i32>} : memref<128x128xf32, #tpu.memory_space<vmem>>, vector<16xf32>,
        %get3A_56 = arith.index_cast %add3A_47 : i32 to index
        %get3A_57 = arith.constant 16 : index
        %get3A_58 = tpu.vector_load %arg17[%get3A_56, %get3A_57] {strides = array<i32>} : memref<128x128xf32, #tpu.memory_space<vmem>>, vector<16xf32>,
        %mul3A_59 = arith.mulf %get3A_58, %gather3A : vector<16xf32>
        %swap3A_60 = arith.index_cast %add3A_47 : i32 to index
        %swap3A_61 = arith.constant 16 : index
        %swap3A_62 = tpu.vector_load %arg17[%swap3A_60, %swap3A_61] {strides = array<i32>} : memref<128x128xf32, #tpu.memory_space<vmem>>, vector<16xf32>,
        tpu.vector_store %arg17[%swap3A_60, %swap3A_61], %mul3A_59 {strides = array<i32>} : memref<128x128xf32, #tpu.memory_space<vmem>>, vector<16xf32>,
        %get3A_63 = arith.index_cast %add3A_47 : i32 to index
        %get3A_64 = arith.constant 32 : index
        %get3A_65 = tpu.vector_load %arg17[%get3A_63, %get3A_64] {strides = array<i32>} : memref<128x128xf32, #tpu.memory_space<vmem>>, vector<16xf32>,
        %mul3A_66 = arith.mulf %get3A_65, %gather3A : vector<16xf32>
        %swap3A_67 = arith.index_cast %add3A_47 : i32 to index
        %swap3A_68 = arith.constant 32 : index
        %swap3A_69 = tpu.vector_load %arg17[%swap3A_67, %swap3A_68] {strides = array<i32>} : memref<128x128xf32, #tpu.memory_space<vmem>>, vector<16xf32>,
        tpu.vector_store %arg17[%swap3A_67, %swap3A_68], %mul3A_66 {strides = array<i32>} : memref<128x128xf32, #tpu.memory_space<vmem>>, vector<16xf32>,
        %get3A_70 = arith.index_cast %add3A_47 : i32 to index
        %get3A_71 = arith.constant 48 : index
        %get3A_72 = tpu.vector_load %arg17[%get3A_70, %get3A_71] {strides = array<i32>} : memref<128x128xf32, #tpu.memory_space<vmem>>, vector<16xf32>,
        %mul3A_73 = arith.mulf %get3A_72, %gather3A : vector<16xf32>
        %swap3A_74 = arith.index_cast %add3A_47 : i32 to index
        %swap3A_75 = arith.constant 48 : index
        %swap3A_76 = tpu.vector_load %arg17[%swap3A_74, %swap3A_75] {strides = array<i32>} : memref<128x128xf32, #tpu.memory_space<vmem>>, vector<16xf32>,
        tpu.vector_store %arg17[%swap3A_74, %swap3A_75], %mul3A_73 {strides = array<i32>} : memref<128x128xf32, #tpu.memory_space<vmem>>, vector<16xf32>,
        %get3A_77 = arith.index_cast %add3A_47 : i32 to index
        %get3A_78 = arith.constant 64 : index
        %get3A_79 = tpu.vector_load %arg17[%get3A_77, %get3A_78] {strides = array<i32>} : memref<128x128xf32, #tpu.memory_space<vmem>>, vector<16xf32>,
        %mul3A_80 = arith.mulf %get3A_79, %gather3A : vector<16xf32>
        %swap3A_81 = arith.index_cast %add3A_47 : i32 to index
        %swap3A_82 = arith.constant 64 : index
        %swap3A_83 = tpu.vector_load %arg17[%swap3A_81, %swap3A_82] {strides = array<i32>} : memref<128x128xf32, #tpu.memory_space<vmem>>, vector<16xf32>,
        tpu.vector_store %arg17[%swap3A_81, %swap3A_82], %mul3A_80 {strides = array<i32>} : memref<128x128xf32, #tpu.memory_space<vmem>>, vector<16xf32>,
        %get3A_84 = arith.index_cast %add3A_47 : i32 to index
        %get3A_85 = arith.constant 80 : index
        %get3A_86 = tpu.vector_load %arg17[%get3A_84, %get3A_85] {strides = array<i32>} : memref<128x128xf32, #tpu.memory_space<vmem>>, vector<16xf32>,
        %mul3A_87 = arith.mulf %get3A_86, %gather3A : vector<16xf32>
        %swap3A_88 = arith.index_cast %add3A_47 : i32 to index
        %swap3A_89 = arith.constant 80 : index
        %swap3A_90 = tpu.vector_load %arg17[%swap3A_88, %swap3A_89] {strides = array<i32>} : memref<128x128xf32, #tpu.memory_space<vmem>>, vector<16xf32>,
        tpu.vector_store %arg17[%swap3A_88, %swap3A_89], %mul3A_87 {strides = array<i32>} : memref<128x128xf32, #tpu.memory_space<vmem>>, vector<16xf32>,
        %get3A_91 = arith.index_cast %add3A_47 : i32 to index
        %get3A_92 = arith.constant 96 : index
        %get3A_93 = tpu.vector_load %arg17[%get3A_91, %get3A_92] {strides = array<i32>} : memref<128x128xf32, #tpu.memory_space<vmem>>, vector<16xf32>,
        %mul3A_94 = arith.mulf %get3A_93, %gather3A : vector<16xf32>
        %swap3A_95 = arith.index_cast %add3A_47 : i32 to index
        %swap3A_96 = arith.constant 96 : index
        %swap3A_97 = tpu.vector_load %arg17[%swap3A_95, %swap3A_96] {strides = array<i32>} : memref<128x128xf32, #tpu.memory_space<vmem>>, vector<16xf32>,
        tpu.vector_store %arg17[%swap3A_95, %swap3A_96], %mul3A_94 {strides = array<i32>} : memref<128x128xf32, #tpu.memory_space<vmem>>, vector<16xf32>,
        %get3A_98 = arith.index_cast %add3A_47 : i32 to index
        %get3A_99 = arith.constant 112 : index
        %get3A_100 = tpu.vector_load %arg17[%get3A_98, %get3A_99] {strides = array<i32>} : memref<128x128xf32, #tpu.memory_space<vmem>>, vector<16xf32>,
        %mul3A_101 = arith.mulf %get3A_100, %gather3A : vector<16xf32>
        %swap3A_102 = arith.index_cast %add3A_47 : i32 to index
        %swap3A_103 = arith.constant 112 : index
        %swap3A_104 = tpu.vector_load %arg17[%swap3A_102, %swap3A_103] {strides = array<i32>} : memref<128x128xf32, #tpu.memory_space<vmem>>, vector<16xf32>,
        tpu.vector_store %arg17[%swap3A_102, %swap3A_103], %mul3A_101 {strides = array<i32>} : memref<128x128xf32, #tpu.memory_space<vmem>>, vector<16xf32>,
      }
      %scan3A_36 = arith.constant 128 : i32
      %dma_start3A_37 = arith.constant 0 : i32
      %dma_start3A_38 = arith.constant 0 : i32
      %dma_start3A_39 = tpu.memref_slice %arg10[%dma_start3A_37, %dma_start3A_38] : memref<10240x128xf32, #tpu.memory_space<vmem_shared>> -> memref<10240x128xf32, #tpu.memory_space<vmem_shared>>
      tpu.enqueue_indirect_dma source(%arg17 : memref<128x128xf32, #tpu.memory_space<vmem>>) target(%dma_start3A_39 : memref<10240x128xf32, #tpu.memory_space<vmem_shared>>) offsets(%arg15 : memref<128xi32, #tpu.memory_space<vmem>>) semaphore(%arg19 : memref<!tpu.dma_semaphore, #tpu.memory_space<semaphore_mem>>) {add = true}
      %dma_wait3A_40 = arith.constant 0 : i32
      %dma_wait3A_41 = arith.constant 0 : i32
      %dma_wait3A_42 = tpu.memref_slice %arg10[%dma_wait3A_40, %dma_wait3A_41] : memref<10240x128xf32, #tpu.memory_space<vmem_shared>> -> memref<10240x128xf32, #tpu.memory_space<vmem_shared>>
      tpu.wait_indirect_dma semaphore(%arg19 : memref<!tpu.dma_semaphore, #tpu.memory_space<semaphore_mem>>) src(%arg17 : memref<128x128xf32, #tpu.memory_space<vmem>>) dst(%dma_wait3A_42 : memref<10240x128xf32, #tpu.memory_space<vmem_shared>>)
    }
    %scan3A_13 = arith.constant 81 : i32
    %barrier3A_14 = arith.constant 0 : index
    tpu.barrier barrier_id(%barrier3A_14)
    "tpu.region"() ({
      %run_scoped3A = tpu.sem_alloc : memref<!tpu.dma_semaphore, #tpu.memory_space<semaphore_mem>>
      %dma_start3A = arith.constant 0 : i32
      %dma_start3A_15 = tpu.memref_slice %arg8[%arg0, %mul3A_6, %dma_start3A] : memref<2x10240x128xf32, #tpu.memory_space<hbm>> -> memref<1x640x128xf32, #tpu.memory_space<hbm>>
      %dma_start3A_16 = tpu.memref_squeeze %dma_start3A_15 : memref<1x640x128xf32, #tpu.memory_space<hbm>> -> memref<640x128xf32, #tpu.memory_space<hbm>>
      %dma_start3A_17 = arith.constant 0 : i32
      %dma_start3A_18 = tpu.memref_slice %arg10[%mul3A_6, %dma_start3A_17] : memref<10240x128xf32, #tpu.memory_space<vmem_shared>> -> memref<640x128xf32, #tpu.memory_space<vmem_shared>>
      tpu.enqueue_dma source(%dma_start3A_18 : memref<640x128xf32, #tpu.memory_space<vmem_shared>>) target(%dma_start3A_16 : memref<640x128xf32, #tpu.memory_space<hbm>>) target_semaphore(%run_scoped3A : memref<!tpu.dma_semaphore, #tpu.memory_space<semaphore_mem>>)
      %dma_wait3A = arith.constant 0 : i32
      %dma_wait3A_19 = tpu.memref_slice %arg8[%arg0, %mul3A_6, %dma_wait3A] : memref<2x10240x128xf32, #tpu.memory_space<hbm>> -> memref<1x640x128xf32, #tpu.memory_space<hbm>>
      %dma_wait3A_20 = tpu.memref_squeeze %dma_wait3A_19 : memref<1x640x128xf32, #tpu.memory_space<hbm>> -> memref<640x128xf32, #tpu.memory_space<hbm>>
      %dma_wait3A_21 = arith.constant 0 : i32
      %dma_wait3A_22 = tpu.memref_slice %arg10[%mul3A_6, %dma_wait3A_21] : memref<10240x128xf32, #tpu.memory_space<vmem_shared>> -> memref<640x128xf32, #tpu.memory_space<vmem_shared>>
      tpu.wait_dma2 semaphore(%run_scoped3A : memref<!tpu.dma_semaphore, #tpu.memory_space<semaphore_mem>>) src(%dma_wait3A_22 : memref<640x128xf32, #tpu.memory_space<vmem_shared>>) dst(%dma_wait3A_20 : memref<640x128xf32, #tpu.memory_space<hbm>>)
      tpu.yield
    }) : () -> ()
    "tpu.region"() ({
      %run_scoped3A = tpu.sem_alloc : memref<!tpu.dma_semaphore, #tpu.memory_space<semaphore_mem>>
      %dma_start3A = arith.constant 0 : i32
      %dma_start3A_15 = tpu.memref_slice %arg9[%arg0, %arg1, %dma_start3A] : memref<2x16x10240xf32, #tpu.memory_space<hbm>> -> memref<1x1x10240xf32, #tpu.memory_space<hbm>>
      %dma_start3A_16 = tpu.memref_squeeze %dma_start3A_15 : memref<1x1x10240xf32, #tpu.memory_space<hbm>> -> memref<10240xf32, #tpu.memory_space<hbm>>
      %dma_start3A_17 = arith.constant 0 : i32
      %dma_start3A_18 = tpu.memref_slice %arg9[%arg0, %arg1, %dma_start3A_17] : memref<2x16x10240xf32, #tpu.memory_space<hbm>> -> memref<1x1x10240xf32, #tpu.memory_space<hbm>>
      %dma_start3A_19 = tpu.memref_squeeze %dma_start3A_18 : memref<1x1x10240xf32, #tpu.memory_space<hbm>> -> memref<10240xf32, #tpu.memory_space<hbm>>
      tpu.enqueue_dma source(%arg13 : memref<10240xf32, #tpu.memory_space<vmem>>) target(%dma_start3A_19 : memref<10240xf32, #tpu.memory_space<hbm>>) target_semaphore(%run_scoped3A : memref<!tpu.dma_semaphore, #tpu.memory_space<semaphore_mem>>)
      %dma_wait3A = arith.constant 0 : i32
      %dma_wait3A_20 = tpu.memref_slice %arg9[%arg0, %arg1, %dma_wait3A] : memref<2x16x10240xf32, #tpu.memory_space<hbm>> -> memref<1x1x10240xf32, #tpu.memory_space<hbm>>
      %dma_wait3A_21 = tpu.memref_squeeze %dma_wait3A_20 : memref<1x1x10240xf32, #tpu.memory_space<hbm>> -> memref<10240xf32, #tpu.memory_space<hbm>>
      %dma_wait3A_22 = arith.constant 0 : i32
      %dma_wait3A_23 = tpu.memref_slice %arg9[%arg0, %arg1, %dma_wait3A_22] : memref<2x16x10240xf32, #tpu.memory_space<hbm>> -> memref<1x1x10240xf32, #tpu.memory_space<hbm>>
      %dma_wait3A_24 = tpu.memref_squeeze %dma_wait3A_23 : memref<1x1x10240xf32, #tpu.memory_space<hbm>> -> memref<10240xf32, #tpu.memory_space<hbm>>
      tpu.wait_dma2 semaphore(%run_scoped3A : memref<!tpu.dma_semaphore, #tpu.memory_space<semaphore_mem>>) src(%arg13 : memref<10240xf32, #tpu.memory_space<vmem>>) dst(%dma_wait3A_24 : memref<10240xf32, #tpu.memory_space<hbm>>)
      tpu.yield
    }) : () -> ()
    return
  }
}

module attributes {stable_mosaic.version = 14 : i64} {
  func.func @_tc_layer0(%arg0: memref<80x128x128xf32, #tpu.memory_space<vmem>>, %arg1: memref<128x128xf32, #tpu.memory_space<vmem>>, %arg2: memref<128x2xf32, #tpu.memory_space<vmem>>, %arg3: memref<80x128x128xf32, #tpu.memory_space<vmem>>, %arg4: memref<80x128x2xf32, #tpu.memory_space<vmem>>) attributes {dimension_semantics = [], scalar_prefetch = 0 : i64, scratch_operands = 0 : i64, tpu.core_type = #tpu.core_type<tc>} {
    %get3A = arith.constant 0 : index
    %get3A_0 = arith.constant 0 : index
    %get3A_1 = arith.constant 0 : index
    %get3A_2 = vector.load %arg0[%get3A, %get3A_0, %get3A_1] : memref<80x128x128xf32, #tpu.memory_space<vmem>>, vector<80x128x128xf32>
    %get3A_3 = arith.constant 0 : index
    %get3A_4 = arith.constant 0 : index
    %get3A_5 = vector.load %arg1[%get3A_3, %get3A_4] : memref<128x128xf32, #tpu.memory_space<vmem>>, vector<128x128xf32>
    "tpu.trace_start"() <{level = 10 : i32, message = "abk,kc->abc"}> : () -> ()
    %dot_general3A = arith.constant dense<0.000000e+00> : vector<80x128x128xf32>
    %dot_general3A_6 = tpu.matmul %get3A_2, %get3A_5, %dot_general3A {dimension_numbers = #tpu.dot_dimension_numbers<[2], [0], [0, 1], [1], [0, 0, 0, 1, 1, 1], [], []>, precision = #tpu.contract_precision<fp32>, transpose_lhs_hint = false} : vector<80x128x128xf32>, vector<128x128xf32>, vector<80x128x128xf32> -> vector<80x128x128xf32>
    "tpu.trace_stop"() : () -> ()
    %swap3A = arith.constant 0 : index
    %swap3A_7 = arith.constant 0 : index
    %swap3A_8 = arith.constant 0 : index
    %swap3A_9 = vector.load %arg3[%swap3A, %swap3A_7, %swap3A_8] : memref<80x128x128xf32, #tpu.memory_space<vmem>>, vector<80x128x128xf32>
    tpu.vector_store %arg3[%swap3A, %swap3A_7, %swap3A_8], %dot_general3A_6 {strides = array<i32>} : memref<80x128x128xf32, #tpu.memory_space<vmem>>, vector<80x128x128xf32>,
    %get3A_10 = arith.constant 0 : index
    %get3A_11 = arith.constant 0 : index
    %get3A_12 = vector.load %arg2[%get3A_10, %get3A_11] : memref<128x2xf32, #tpu.memory_space<vmem>>, vector<128x2xf32>
    "tpu.trace_start"() <{level = 10 : i32, message = "abk,kc->abc"}> : () -> ()
    %dot_general3A_13 = arith.constant dense<0.000000e+00> : vector<80x128x2xf32>
    %dot_general3A_14 = tpu.matmul %dot_general3A_6, %get3A_12, %dot_general3A_13 {dimension_numbers = #tpu.dot_dimension_numbers<[2], [0], [0, 1], [1], [0, 0, 0, 1, 1, 1], [], []>, precision = #tpu.contract_precision<fp32>, transpose_lhs_hint = false} : vector<80x128x128xf32>, vector<128x2xf32>, vector<80x128x2xf32> -> vector<80x128x2xf32>
    "tpu.trace_stop"() : () -> ()
    %swap3A_15 = arith.constant 0 : index
    %swap3A_16 = arith.constant 0 : index
    %swap3A_17 = arith.constant 0 : index
    %swap3A_18 = vector.load %arg4[%swap3A_15, %swap3A_16, %swap3A_17] : memref<80x128x2xf32, #tpu.memory_space<vmem>>, vector<80x128x2xf32>
    tpu.vector_store %arg4[%swap3A_15, %swap3A_16, %swap3A_17], %dot_general3A_14 {strides = array<i32>} : memref<80x128x2xf32, #tpu.memory_space<vmem>>, vector<80x128x2xf32>,
    return
  }
}

module attributes {stable_mosaic.version = 14 : i64} {
  func.func @_tc_mid(%arg0: memref<2x80x128x128xf32, #tpu.memory_space<vmem>>, %arg1: memref<32x80x128xf32, #tpu.memory_space<vmem>>, %arg2: memref<80x128xf32, #tpu.memory_space<vmem>>, %arg3: memref<128xf32, #tpu.memory_space<vmem>>, %arg4: memref<128xf32, #tpu.memory_space<vmem>>, %arg5: memref<128xf32, #tpu.memory_space<vmem>>, %arg6: memref<128x128xf32, #tpu.memory_space<vmem>>, %arg7: memref<128x2xf32, #tpu.memory_space<vmem>>, %arg8: memref<80x128x128xf32, #tpu.memory_space<vmem>>, %arg9: memref<80x128x2xf32, #tpu.memory_space<vmem>>) attributes {dimension_semantics = [], scalar_prefetch = 0 : i64, scratch_operands = 0 : i64, tpu.core_type = #tpu.core_type<tc>} {
    %get3A = arith.constant 0 : index
    %get3A_0 = arith.constant 0 : index
    %get3A_1 = arith.constant 0 : index
    %get3A_2 = arith.constant 0 : index
    %get3A_3 = vector.load %arg0[%get3A, %get3A_0, %get3A_1, %get3A_2] : memref<2x80x128x128xf32, #tpu.memory_space<vmem>>, vector<1x80x128x128xf32>
    %get3A_4 = vector.shape_cast %get3A_3 : vector<1x80x128x128xf32> to vector<80x128x128xf32>
    %get3A_5 = arith.constant 1 : index
    %get3A_6 = arith.constant 0 : index
    %get3A_7 = arith.constant 0 : index
    %get3A_8 = arith.constant 0 : index
    %get3A_9 = vector.load %arg0[%get3A_5, %get3A_6, %get3A_7, %get3A_8] : memref<2x80x128x128xf32, #tpu.memory_space<vmem>>, vector<1x80x128x128xf32>
    %get3A_10 = vector.shape_cast %get3A_9 : vector<1x80x128x128xf32> to vector<80x128x128xf32>
    %add3A = arith.addf %get3A_4, %get3A_10 : vector<80x128x128xf32>
    %get3A_11 = arith.constant 0 : index
    %get3A_12 = arith.constant 0 : index
    %get3A_13 = arith.constant 0 : index
    %get3A_14 = vector.load %arg1[%get3A_11, %get3A_12, %get3A_13] : memref<32x80x128xf32, #tpu.memory_space<vmem>>, vector<32x80x128xf32>
    %reduce_sum3A = arith.constant dense<0.000000e+00> : vector<80x128xf32>
    %reduce_sum3A_15 = vector.multi_reduction <add>, %get3A_14, %reduce_sum3A [0] : vector<32x80x128xf32> to vector<80x128xf32>
    %get3A_16 = arith.constant 0 : index
    %get3A_17 = arith.constant 0 : index
    %get3A_18 = vector.load %arg2[%get3A_16, %get3A_17] : memref<80x128xf32, #tpu.memory_space<vmem>>, vector<80x128xf32>
    %gt3A = arith.constant 0.000000e+00 : f32
    %gt3A_19 = vector.broadcast %gt3A : f32 to vector<80x128xf32>
    %gt3A_20 = arith.cmpf ogt, %get3A_18, %gt3A_19 : vector<80x128xf32>
    %jit3A = arith.constant 1.000000e+00 : f32
    %broadcast_in_dim3A = vector.broadcast %jit3A : f32 to vector<80x128xf32>
    %select_n3A = arith.select %gt3A_20, %reduce_sum3A_15, %broadcast_in_dim3A : vector<80x128xi1>, vector<80x128xf32>
    %broadcast_in_dim3A_21 = vector.shape_cast %get3A_18 : vector<80x128xf32> to vector<80x128x1xf32>
    %broadcast_in_dim3A_22 = vector.broadcast %broadcast_in_dim3A_21 : vector<80x128x1xf32> to vector<80x128x128xf32>
    %broadcast_in_dim3A_23 = vector.shape_cast %select_n3A : vector<80x128xf32> to vector<80x128x1xf32>
    %broadcast_in_dim3A_24 = vector.broadcast %broadcast_in_dim3A_23 : vector<80x128x1xf32> to vector<80x128x128xf32>
    %div3A = arith.divf %add3A, %broadcast_in_dim3A_24 : vector<80x128x128xf32>
    %get3A_25 = arith.constant 0 : index
    %get3A_26 = vector.load %arg3[%get3A_25] : memref<128xf32, #tpu.memory_space<vmem>>, vector<128xf32>
    %broadcast_in_dim3A_27 = vector.shape_cast %get3A_26 : vector<128xf32> to vector<1x1x128xf32>
    %add3A_28 = vector.broadcast %broadcast_in_dim3A_27 : vector<1x1x128xf32> to vector<80x128x128xf32>
    %add3A_29 = arith.addf %div3A, %add3A_28 : vector<80x128x128xf32>
    %mul3A = arith.mulf %add3A_29, %broadcast_in_dim3A_22 : vector<80x128x128xf32>
    %reduce_sum3A_30 = arith.constant dense<0.000000e+00> : vector<128x128xf32>
    %reduce_sum3A_31 = vector.multi_reduction <add>, %mul3A, %reduce_sum3A_30 [0] : vector<80x128x128xf32> to vector<128x128xf32>
    %reduce_sum3A_32 = arith.constant dense<0.000000e+00> : vector<128xf32>
    %reduce_sum3A_33 = vector.multi_reduction <add>, %reduce_sum3A_31, %reduce_sum3A_32 [0] : vector<128x128xf32> to vector<128xf32>
    %mul3A_34 = arith.constant 9.99999974E-5 : f32
    %mul3A_35 = vector.broadcast %mul3A_34 : f32 to vector<128xf32>
    %mul3A_36 = arith.mulf %reduce_sum3A_33, %mul3A_35 : vector<128xf32>
    %broadcast_in_dim3A_37 = vector.shape_cast %mul3A_36 : vector<128xf32> to vector<1x1x128xf32>
    %sub3A = vector.broadcast %broadcast_in_dim3A_37 : vector<1x1x128xf32> to vector<80x128x128xf32>
    %sub3A_38 = arith.subf %add3A_29, %sub3A : vector<80x128x128xf32>
    %mul3A_39 = arith.mulf %sub3A_38, %broadcast_in_dim3A_22 : vector<80x128x128xf32>
    %mul3A_40 = arith.mulf %mul3A_39, %mul3A_39 : vector<80x128x128xf32>
    %reduce_sum3A_41 = arith.constant dense<0.000000e+00> : vector<128x128xf32>
    %reduce_sum3A_42 = vector.multi_reduction <add>, %mul3A_40, %reduce_sum3A_41 [0] : vector<80x128x128xf32> to vector<128x128xf32>
    %reduce_sum3A_43 = arith.constant dense<0.000000e+00> : vector<128xf32>
    %reduce_sum3A_44 = vector.multi_reduction <add>, %reduce_sum3A_42, %reduce_sum3A_43 [0] : vector<128x128xf32> to vector<128xf32>
    %mul3A_45 = arith.constant 9.99999974E-5 : f32
    %mul3A_46 = vector.broadcast %mul3A_45 : f32 to vector<128xf32>
    %mul3A_47 = arith.mulf %reduce_sum3A_44, %mul3A_46 : vector<128xf32>
    %get3A_48 = arith.constant 0 : index
    %get3A_49 = vector.load %arg4[%get3A_48] : memref<128xf32, #tpu.memory_space<vmem>>, vector<128xf32>
    %add3A_50 = arith.constant 9.99999974E-6 : f32
    %add3A_51 = vector.broadcast %add3A_50 : f32 to vector<128xf32>
    %add3A_52 = arith.addf %mul3A_47, %add3A_51 : vector<128xf32>
    %rsqrt3A = math.rsqrt %add3A_52 : vector<128xf32>
    %mul3A_53 = arith.mulf %get3A_49, %rsqrt3A : vector<128xf32>
    %broadcast_in_dim3A_54 = vector.shape_cast %mul3A_53 : vector<128xf32> to vector<1x1x128xf32>
    %mul3A_55 = vector.broadcast %broadcast_in_dim3A_54 : vector<1x1x128xf32> to vector<80x128x128xf32>
    %mul3A_56 = arith.mulf %mul3A_39, %mul3A_55 : vector<80x128x128xf32>
    %get3A_57 = arith.constant 0 : index
    %get3A_58 = vector.load %arg5[%get3A_57] : memref<128xf32, #tpu.memory_space<vmem>>, vector<128xf32>
    %broadcast_in_dim3A_59 = vector.shape_cast %get3A_58 : vector<128xf32> to vector<1x1x128xf32>
    %add3A_60 = vector.broadcast %broadcast_in_dim3A_59 : vector<1x1x128xf32> to vector<80x128x128xf32>
    %add3A_61 = arith.addf %mul3A_56, %add3A_60 : vector<80x128x128xf32>
    %max3A = arith.constant 0.000000e+00 : f32
    %max3A_62 = vector.broadcast %max3A : f32 to vector<80x128x128xf32>
    %max3A_63 = arith.maximumf %add3A_61, %max3A_62 : vector<80x128x128xf32>
    %mul3A_64 = arith.mulf %max3A_63, %broadcast_in_dim3A_22 : vector<80x128x128xf32>
    %get3A_65 = arith.constant 0 : index
    %get3A_66 = arith.constant 0 : index
    %get3A_67 = vector.load %arg6[%get3A_65, %get3A_66] : memref<128x128xf32, #tpu.memory_space<vmem>>, vector<128x128xf32>
    "tpu.trace_start"() <{level = 10 : i32, message = "abk,kc->abc"}> : () -> ()
    %dot_general3A = arith.constant dense<0.000000e+00> : vector<80x128x128xf32>
    %dot_general3A_68 = tpu.matmul %mul3A_64, %get3A_67, %dot_general3A {dimension_numbers = #tpu.dot_dimension_numbers<[2], [0], [0, 1], [1], [0, 0, 0, 1, 1, 1], [], []>, precision = #tpu.contract_precision<fp32>, transpose_lhs_hint = false} : vector<80x128x128xf32>, vector<128x128xf32>, vector<80x128x128xf32> -> vector<80x128x128xf32>
    "tpu.trace_stop"() : () -> ()
    %swap3A = arith.constant 0 : index
    %swap3A_69 = arith.constant 0 : index
    %swap3A_70 = arith.constant 0 : index
    %swap3A_71 = vector.load %arg8[%swap3A, %swap3A_69, %swap3A_70] : memref<80x128x128xf32, #tpu.memory_space<vmem>>, vector<80x128x128xf32>
    tpu.vector_store %arg8[%swap3A, %swap3A_69, %swap3A_70], %dot_general3A_68 {strides = array<i32>} : memref<80x128x128xf32, #tpu.memory_space<vmem>>, vector<80x128x128xf32>,
    %get3A_72 = arith.constant 0 : index
    %get3A_73 = arith.constant 0 : index
    %get3A_74 = vector.load %arg7[%get3A_72, %get3A_73] : memref<128x2xf32, #tpu.memory_space<vmem>>, vector<128x2xf32>
    "tpu.trace_start"() <{level = 10 : i32, message = "abk,kc->abc"}> : () -> ()
    %dot_general3A_75 = arith.constant dense<0.000000e+00> : vector<80x128x2xf32>
    %dot_general3A_76 = tpu.matmul %dot_general3A_68, %get3A_74, %dot_general3A_75 {dimension_numbers = #tpu.dot_dimension_numbers<[2], [0], [0, 1], [1], [0, 0, 0, 1, 1, 1], [], []>, precision = #tpu.contract_precision<fp32>, transpose_lhs_hint = false} : vector<80x128x128xf32>, vector<128x2xf32>, vector<80x128x2xf32> -> vector<80x128x2xf32>
    "tpu.trace_stop"() : () -> ()
    %swap3A_77 = arith.constant 0 : index
    %swap3A_78 = arith.constant 0 : index
    %swap3A_79 = arith.constant 0 : index
    %swap3A_80 = vector.load %arg9[%swap3A_77, %swap3A_78, %swap3A_79] : memref<80x128x2xf32, #tpu.memory_space<vmem>>, vector<80x128x2xf32>
    tpu.vector_store %arg9[%swap3A_77, %swap3A_78, %swap3A_79], %dot_general3A_76 {strides = array<i32>} : memref<80x128x2xf32, #tpu.memory_space<vmem>>, vector<80x128x2xf32>,
    return
  }
}

module attributes {stable_mosaic.version = 14 : i64} {
  func.func @_tc_final(%arg0: memref<2x80x128x128xf32, #tpu.memory_space<vmem>>, %arg1: memref<32x80x128xf32, #tpu.memory_space<vmem>>, %arg2: memref<80x128xf32, #tpu.memory_space<vmem>>, %arg3: memref<128xf32, #tpu.memory_space<vmem>>, %arg4: memref<128xf32, #tpu.memory_space<vmem>>, %arg5: memref<128xf32, #tpu.memory_space<vmem>>, %arg6: memref<128x40xf32, #tpu.memory_space<vmem>>, %arg7: memref<40xf32, #tpu.memory_space<vmem>>, %arg8: memref<80x128x40xf32, #tpu.memory_space<vmem>>) attributes {dimension_semantics = [], scalar_prefetch = 0 : i64, scratch_operands = 0 : i64, tpu.core_type = #tpu.core_type<tc>} {
    %get3A = arith.constant 0 : index
    %get3A_0 = arith.constant 0 : index
    %get3A_1 = arith.constant 0 : index
    %get3A_2 = arith.constant 0 : index
    %get3A_3 = vector.load %arg0[%get3A, %get3A_0, %get3A_1, %get3A_2] : memref<2x80x128x128xf32, #tpu.memory_space<vmem>>, vector<1x80x128x128xf32>
    %get3A_4 = vector.shape_cast %get3A_3 : vector<1x80x128x128xf32> to vector<80x128x128xf32>
    %get3A_5 = arith.constant 1 : index
    %get3A_6 = arith.constant 0 : index
    %get3A_7 = arith.constant 0 : index
    %get3A_8 = arith.constant 0 : index
    %get3A_9 = vector.load %arg0[%get3A_5, %get3A_6, %get3A_7, %get3A_8] : memref<2x80x128x128xf32, #tpu.memory_space<vmem>>, vector<1x80x128x128xf32>
    %get3A_10 = vector.shape_cast %get3A_9 : vector<1x80x128x128xf32> to vector<80x128x128xf32>
    %add3A = arith.addf %get3A_4, %get3A_10 : vector<80x128x128xf32>
    %get3A_11 = arith.constant 0 : index
    %get3A_12 = arith.constant 0 : index
    %get3A_13 = arith.constant 0 : index
    %get3A_14 = vector.load %arg1[%get3A_11, %get3A_12, %get3A_13] : memref<32x80x128xf32, #tpu.memory_space<vmem>>, vector<32x80x128xf32>
    %reduce_sum3A = arith.constant dense<0.000000e+00> : vector<80x128xf32>
    %reduce_sum3A_15 = vector.multi_reduction <add>, %get3A_14, %reduce_sum3A [0] : vector<32x80x128xf32> to vector<80x128xf32>
    %get3A_16 = arith.constant 0 : index
    %get3A_17 = arith.constant 0 : index
    %get3A_18 = vector.load %arg2[%get3A_16, %get3A_17] : memref<80x128xf32, #tpu.memory_space<vmem>>, vector<80x128xf32>
    %gt3A = arith.constant 0.000000e+00 : f32
    %gt3A_19 = vector.broadcast %gt3A : f32 to vector<80x128xf32>
    %gt3A_20 = arith.cmpf ogt, %get3A_18, %gt3A_19 : vector<80x128xf32>
    %jit3A = arith.constant 1.000000e+00 : f32
    %broadcast_in_dim3A = vector.broadcast %jit3A : f32 to vector<80x128xf32>
    %select_n3A = arith.select %gt3A_20, %reduce_sum3A_15, %broadcast_in_dim3A : vector<80x128xi1>, vector<80x128xf32>
    %broadcast_in_dim3A_21 = vector.shape_cast %get3A_18 : vector<80x128xf32> to vector<80x128x1xf32>
    %broadcast_in_dim3A_22 = vector.broadcast %broadcast_in_dim3A_21 : vector<80x128x1xf32> to vector<80x128x128xf32>
    %broadcast_in_dim3A_23 = vector.shape_cast %select_n3A : vector<80x128xf32> to vector<80x128x1xf32>
    %broadcast_in_dim3A_24 = vector.broadcast %broadcast_in_dim3A_23 : vector<80x128x1xf32> to vector<80x128x128xf32>
    %div3A = arith.divf %add3A, %broadcast_in_dim3A_24 : vector<80x128x128xf32>
    %get3A_25 = arith.constant 0 : index
    %get3A_26 = vector.load %arg3[%get3A_25] : memref<128xf32, #tpu.memory_space<vmem>>, vector<128xf32>
    %broadcast_in_dim3A_27 = vector.shape_cast %get3A_26 : vector<128xf32> to vector<1x1x128xf32>
    %add3A_28 = vector.broadcast %broadcast_in_dim3A_27 : vector<1x1x128xf32> to vector<80x128x128xf32>
    %add3A_29 = arith.addf %div3A, %add3A_28 : vector<80x128x128xf32>
    %mul3A = arith.mulf %add3A_29, %broadcast_in_dim3A_22 : vector<80x128x128xf32>
    %reduce_sum3A_30 = arith.constant dense<0.000000e+00> : vector<128x128xf32>
    %reduce_sum3A_31 = vector.multi_reduction <add>, %mul3A, %reduce_sum3A_30 [0] : vector<80x128x128xf32> to vector<128x128xf32>
    %reduce_sum3A_32 = arith.constant dense<0.000000e+00> : vector<128xf32>
    %reduce_sum3A_33 = vector.multi_reduction <add>, %reduce_sum3A_31, %reduce_sum3A_32 [0] : vector<128x128xf32> to vector<128xf32>
    %mul3A_34 = arith.constant 9.99999974E-5 : f32
    %mul3A_35 = vector.broadcast %mul3A_34 : f32 to vector<128xf32>
    %mul3A_36 = arith.mulf %reduce_sum3A_33, %mul3A_35 : vector<128xf32>
    %broadcast_in_dim3A_37 = vector.shape_cast %mul3A_36 : vector<128xf32> to vector<1x1x128xf32>
    %sub3A = vector.broadcast %broadcast_in_dim3A_37 : vector<1x1x128xf32> to vector<80x128x128xf32>
    %sub3A_38 = arith.subf %add3A_29, %sub3A : vector<80x128x128xf32>
    %mul3A_39 = arith.mulf %sub3A_38, %broadcast_in_dim3A_22 : vector<80x128x128xf32>
    %mul3A_40 = arith.mulf %mul3A_39, %mul3A_39 : vector<80x128x128xf32>
    %reduce_sum3A_41 = arith.constant dense<0.000000e+00> : vector<128x128xf32>
    %reduce_sum3A_42 = vector.multi_reduction <add>, %mul3A_40, %reduce_sum3A_41 [0] : vector<80x128x128xf32> to vector<128x128xf32>
    %reduce_sum3A_43 = arith.constant dense<0.000000e+00> : vector<128xf32>
    %reduce_sum3A_44 = vector.multi_reduction <add>, %reduce_sum3A_42, %reduce_sum3A_43 [0] : vector<128x128xf32> to vector<128xf32>
    %mul3A_45 = arith.constant 9.99999974E-5 : f32
    %mul3A_46 = vector.broadcast %mul3A_45 : f32 to vector<128xf32>
    %mul3A_47 = arith.mulf %reduce_sum3A_44, %mul3A_46 : vector<128xf32>
    %get3A_48 = arith.constant 0 : index
    %get3A_49 = vector.load %arg4[%get3A_48] : memref<128xf32, #tpu.memory_space<vmem>>, vector<128xf32>
    %add3A_50 = arith.constant 9.99999974E-6 : f32
    %add3A_51 = vector.broadcast %add3A_50 : f32 to vector<128xf32>
    %add3A_52 = arith.addf %mul3A_47, %add3A_51 : vector<128xf32>
    %rsqrt3A = math.rsqrt %add3A_52 : vector<128xf32>
    %mul3A_53 = arith.mulf %get3A_49, %rsqrt3A : vector<128xf32>
    %broadcast_in_dim3A_54 = vector.shape_cast %mul3A_53 : vector<128xf32> to vector<1x1x128xf32>
    %mul3A_55 = vector.broadcast %broadcast_in_dim3A_54 : vector<1x1x128xf32> to vector<80x128x128xf32>
    %mul3A_56 = arith.mulf %mul3A_39, %mul3A_55 : vector<80x128x128xf32>
    %get3A_57 = arith.constant 0 : index
    %get3A_58 = vector.load %arg5[%get3A_57] : memref<128xf32, #tpu.memory_space<vmem>>, vector<128xf32>
    %broadcast_in_dim3A_59 = vector.shape_cast %get3A_58 : vector<128xf32> to vector<1x1x128xf32>
    %add3A_60 = vector.broadcast %broadcast_in_dim3A_59 : vector<1x1x128xf32> to vector<80x128x128xf32>
    %add3A_61 = arith.addf %mul3A_56, %add3A_60 : vector<80x128x128xf32>
    %max3A = arith.constant 0.000000e+00 : f32
    %max3A_62 = vector.broadcast %max3A : f32 to vector<80x128x128xf32>
    %max3A_63 = arith.maximumf %add3A_61, %max3A_62 : vector<80x128x128xf32>
    %mul3A_64 = arith.mulf %max3A_63, %broadcast_in_dim3A_22 : vector<80x128x128xf32>
    %get3A_65 = arith.constant 0 : index
    %get3A_66 = arith.constant 0 : index
    %get3A_67 = vector.load %arg6[%get3A_65, %get3A_66] : memref<128x40xf32, #tpu.memory_space<vmem>>, vector<128x40xf32>
    "tpu.trace_start"() <{level = 10 : i32, message = "abk,kc->abc"}> : () -> ()
    %dot_general3A = arith.constant dense<0.000000e+00> : vector<80x128x40xf32>
    %dot_general3A_68 = tpu.matmul %mul3A_64, %get3A_67, %dot_general3A {dimension_numbers = #tpu.dot_dimension_numbers<[2], [0], [0, 1], [1], [0, 0, 0, 1, 1, 1], [], []>, precision = #tpu.contract_precision<fp32>, transpose_lhs_hint = false} : vector<80x128x128xf32>, vector<128x40xf32>, vector<80x128x40xf32> -> vector<80x128x40xf32>
    "tpu.trace_stop"() : () -> ()
    %get3A_69 = arith.constant 0 : index
    %get3A_70 = vector.load %arg7[%get3A_69] : memref<40xf32, #tpu.memory_space<vmem>>, vector<40xf32>
    %broadcast_in_dim3A_71 = vector.shape_cast %get3A_70 : vector<40xf32> to vector<1x1x40xf32>
    %add3A_72 = vector.broadcast %broadcast_in_dim3A_71 : vector<1x1x40xf32> to vector<80x128x40xf32>
    %add3A_73 = arith.addf %dot_general3A_68, %add3A_72 : vector<80x128x40xf32>
    %swap3A = arith.constant 0 : index
    %swap3A_74 = arith.constant 0 : index
    %swap3A_75 = arith.constant 0 : index
    %swap3A_76 = vector.load %arg8[%swap3A, %swap3A_74, %swap3A_75] : memref<80x128x40xf32, #tpu.memory_space<vmem>>, vector<80x128x40xf32>
    tpu.vector_store %arg8[%swap3A, %swap3A_74, %swap3A_75], %add3A_73 {strides = array<i32>} : memref<80x128x40xf32, #tpu.memory_space<vmem>>, vector<80x128x40xf32>,
    return
  }
}

</mosaic_0001>

<sc_bundles>
// kernel: kernel.10.cloned.1.call-start
scs
__scs_entry_jumppad:
0x0: {  	(pc) =	sbr.rel $0x88, $3  }
0x1: {  	(tag) =	ssettag $0x0;
	lr =	simm.s32 $0x1  }
0x2: {  	[smem:$0x3F91] =	sst lr;
	_ =	strace $0xD0000000  }
0x3: {  	_ = 	snop  }
0x4: {  	_ = 	snop  }
0x5: {  	_ = 	snop  }
0x6: {  	_ = 	snop  }
0x7: {  	_ = 	snop  }
__scs_overlays_trampoline_lowered:
0x8: {  	[smem:$0x3FA0] =	sst s0  }
0x9: {  	[smem:$0x3FA1] =	sst s1  }
0xa: {  	[smem:$0x3FA2] =	sst s2  }
0xb: {  	[smem:$0x3FA3] =	sst s3  }
0xc: {  	[smem:$0x3FA4] =	sst s4  }
0xd: {  	[smem:$0x3FA5] =	sst s5  }
0xe: {  	[smem:$0x3FA6] =	sst s6  }
0xf: {  	[smem:$0x3FA7] =	sst s7  }
0x10: {  	[smem:$0x3FA8] =	sst s8  }
0x11: {  	[smem:$0x3FA9] =	sst s9;
	s0 =	simm.s32 @!p0 $0x0  }
0x12: {  	s1 =	sld [smem:$0x3F8F];
	s0 =	simm.s32 @p0 $0x1  }
0x13: {  	[smem:$0x3FAA] =	sst s0;
	s0 =	simm.s32 @!p1 $0x0  }
0x14: {  	s2 =	sld [smem:$0x3F8E];
	s0 =	simm.s32 @p1 $0x1  }
0x15: {  	[smem:$0x3FAB] =	sst s0;
	s0 =	simm.s32 @!p2 $0x0  }
0x16: {  	s3 =	sld [smem:$0x3FDB];
	s0 =	simm.s32 @p2 $0x1  }
0x17: {  	s4 =	simm.s32 $0x1BF5;
	[smem:$0x3FAD] =	sst s0  }
0x18: {  	s0 =	sld [smem:$0x3F90];
	_ =	swait.ge [sflag:s4], $0x0  }
0x19: {  	s7 =	sld [smem:$0x3F91]  }
0x1a: {  	s8 =	sadd.s32 $0xFFFFE003, lr  }
0x1b: {  	s9 =	sadd.s32 $0xFFFFFEF7, lr;
	s5 =	simm.s32 $0xFFFFFFFF;
	p2 =	slt.u32 s8, $0xFFFFF086  }
0x1c: {  	p1 =	slt.u32 s9, $0xF7A;
	s5 =	simm.s32 @!p2 $0x0  }
0x1d: {  	s5 =	simm.s32 @p1 $0x1;
	p0 =	seq.s32 s7, s2  }
0x1e: {  	s7 =	smul.u32 @!p0 $0xF7A, s2;
	p2 =	seq.s32 @!p0 s5, $0x0  }
0x1f: {  	s9 =	smul.u32 $0xF7A, s1;
	s8 =	simm.s32 @!p0 $0x1BF5;
	p2 =	por !p2, p0  }
0x20: {  	[sflag:s8] =	ssyncset.s32 @!p0 $0xFFFFF086;
	s6 =	sadd.s32 @!p0 s3, s7;
	s7 =	simm.s32 @!p0 $0x108  }
0x21: {  	s3 =	sadd.s32 s3, s9;
	s6 =	sadd.s32 @!p0 $0x88, s6;
	s7 =	simm.s32 @p2 $0x1082  }
0x22: {  	[simem:s7], [sflag:s8] =	dma.local @!p0 [hbm:s6], $0xF7A  }
0x23: {  	s9 =	sor.u32 $0xD0000000, s2;
	s6 =	simm.s32 $0x108;
	_ =	swait.ge @!p0 [sflag:s8], $0x0  }
0x24: {  	s3 =	sadd.s32 $0x88, s3;
	s6 =	simm.s32 @!p1 $0x1082;
	[sflag:s4] =	ssyncset.s32 $0xFFFFF086  }
0x25: {  	[simem:s6], [sflag:s4] =	dma.local [hbm:s3], $0xF7A  }
0x26: {  	[smem:$0x3F91] =	sst s1;
	(tag) =	ssettag s2;
	_ =	strace s9  }
0x27: {  	s1 =	sld [smem:$0x3FA1]  }
0x28: {  	s2 =	sld [smem:$0x3FA2]  }
0x29: {  	s4 =	sld [smem:$0x3FA4]  }
0x2a: {  	p0 =	seq.s32 s5, $0x0;
	s5 =	sld [smem:$0x3FA5]  }
0x2b: {  	s6 =	sld [smem:$0x3FA6]  }
0x2c: {  	s7 =	sld [smem:$0x3FA7]  }
0x2d: {  	s3 =	simm.s32 $0x108;
	s8 =	sld [smem:$0x3FA8]  }
0x2e: {  	s3 =	simm.s32 @!p0 $0x1082;
	s9 =	sld [smem:$0x3FA9]  }
0x2f: {  	lr =	sadd.s32 s0, s3;
	s0 =	sld [smem:$0x3FA0]  }
0x30: {  	s3 =	sld [smem:$0x3FA3]  }
0x31: {  	[smem:$0x3FAC] =	sst s10  }
0x32: {  	s10 =	sld [smem:$0x3FAA];
	_ =	sdelay $0x3  }
0x33: {  	p0 =	seq.s32 s10, $0x1;
	s10 =	sld [smem:$0x3FAC];
	_ =	sdelay $0x3  }
0x34: {  	[smem:$0x3FAC] =	sst s10  }
0x35: {  	s10 =	sld [smem:$0x3FAB];
	_ =	sdelay $0x3  }
0x36: {  	p1 =	seq.s32 s10, $0x1;
	s10 =	sld [smem:$0x3FAC];
	_ =	sdelay $0x3  }
0x37: {  	[smem:$0x3FAC] =	sst s10  }
0x38: {  	s10 =	sld [smem:$0x3FAD]  }
0x39: {  	_ = 	snop;
	(pc) =	sbr.ind lr, $3  }
0x3a: {  	_ = 	snop  }
0x3b: {  	_ = 	snop  }
0x3c: {  	p2 =	seq.s32 s10, $0x1;
	s10 =	sld [smem:$0x3FAC]  }
0x3d: {  	_ =	shalt  }
0x3e: {  	_ =	shalt  }
0x3f: {  	_ =	shalt  }
0x40: {  	_ =	shalt  }
0x41: {  	_ =	shalt  }
0x42: {  	_ =	shalt  }
0x43: {  	_ =	shalt  }
0x44: {  	_ =	shalt  }
0x45: {  	_ =	shalt  }
0x46: {  	_ =	shalt  }
0x47: {  	_ =	shalt  }
0x48: {  	_ =	shalt  }
0x49: {  	_ =	shalt  }
0x4a: {  	_ =	shalt  }
0x4b: {  	_ =	shalt  }
0x4c: {  	_ =	shalt  }
0x4d: {  	_ =	shalt  }
0x4e: {  	_ =	shalt  }
0x4f: {  	_ =	shalt  }
0x50: {  	_ =	shalt  }
0x51: {  	_ =	shalt  }
0x52: {  	_ =	shalt  }
0x53: {  	_ =	shalt  }
0x54: {  	_ =	shalt  }
0x55: {  	_ =	shalt  }
0x56: {  	_ =	shalt  }
0x57: {  	_ =	shalt  }
0x58: {  	_ =	shalt  }
0x59: {  	_ =	shalt  }
0x5a: {  	_ =	shalt  }
0x5b: {  	_ =	shalt  }
0x5c: {  	_ =	shalt  }
0x5d: {  	_ =	shalt  }
0x5e: {  	_ =	shalt  }
0x5f: {  	_ =	shalt  }
0x60: {  	_ =	shalt  }
0x61: {  	_ =	shalt  }
0x62: {  	_ =	shalt  }
0x63: {  	_ =	shalt  }
0x64: {  	_ =	shalt  }
0x65: {  	_ =	shalt  }
0x66: {  	_ =	shalt  }
0x67: {  	_ =	shalt  }
0x68: {  	_ =	shalt  }
0x69: {  	_ =	shalt  }
0x6a: {  	_ =	shalt  }
0x6b: {  	_ =	shalt  }
0x6c: {  	_ =	shalt  }
0x6d: {  	_ =	shalt  }
0x6e: {  	_ =	shalt  }
0x6f: {  	_ =	shalt  }
0x70: {  	_ =	shalt  }
0x71: {  	_ =	shalt  }
0x72: {  	_ =	shalt  }
0x73: {  	_ =	shalt  }
0x74: {  	_ =	shalt  }
0x75: {  	_ =	shalt  }
0x76: {  	_ =	shalt  }
0x77: {  	_ =	shalt  }
0x78: {  	_ =	shalt  }
0x79: {  	_ =	shalt  }
0x7a: {  	_ =	shalt  }
0x7b: {  	_ =	shalt  }
0x7c: {  	_ =	shalt  }
0x7d: {  	_ =	shalt  }
0x7e: {  	_ =	shalt  }
0x7f: {  	_ =	shalt  }
0x80: {  	_ =	shalt  }
0x81: {  	_ =	shalt  }
0x82: {  	_ =	shalt  }
0x83: {  	_ =	shalt  }
0x84: {  	_ =	shalt  }
0x85: {  	_ =	shalt  }
0x86: {  	_ =	shalt  }
0x87: {  	_ =	shalt  }
.Lfunc_end0:
.L_simem_size_0:
called_computation.1_lowered:
.L_overlay_start_0:
0x88: {  	s2 =	sld [smem:$0x3FD9]  }
0x89: {  	s3 =	sld [smem:$0x3FFE];
	_ =	sdelay $0x1  }
0x8a: {  	s1 =	srdreg.scid  }
0x8b: {  	s0 =	sand.u32 $0x1, s1  }
0x8c: {  	s17 =	sshll.u32 s0, $0xA;
	s2 =	sadd.s32 s3, s2  }
0x8d: {  	s2 =	sadd.s32 s2, s17  }
0x8e: {  	[smem:$0x3FB8] =	sst s2  }
0x8f: {  	_ = 	snop  }
0x90: {  	s2 =	sld [smem:$0x3FD0];
	(tm) =	ssettm $0x1  }
0x91: {  	s18 =	sld [smem:$0x3FFB];
	_ =	sdelay $0x3  }
0x92: {  	_ =	strace s18  }
0x93: {  	s3 =	sld [smem:$0x3FFC];
	_ =	sdelay $0x3  }
0x94: {  	_ =	strace s3  }
0x95: {  	s3 =	sld [smem:$0x3FFD];
	_ =	sdelay $0x3  }
0x96: {  	_ =	strace s3  }
0x97: {  	_ =	strace $0x8FFFFFFF  }
0x98: {  	s19 =	sld [smem:$0x3FDB];
	_ =	sdelay $0x1  }
0x99: {  	s4 =	simm.s32 $_scs_section_size  }
0x9a: {  	s5 =	simm.s32 $_size__tile_overlayer_lowered;
	s6 =	simm.s32 $_tile_overlayer_lowered  }
0x9b: {  	s22 =	simm.s32 $0x1BFF;
	s21 =	sshll.u32 s6, $0x1;
	s3 =	sadd.s32 s4, s19  }
0x9c: {  	s7 =	simm.s32 $0x0;
	s20 =	sshll.u32 s5, $0x1;
	s5 =	sadd.s32 s21, s3  }
0x9d: {  	[timem:s7], [sflag:s22] =	dma.local [hbm:s5], s20  }
0x9e: {  	_ =	swait.ge [sflag:s22], s20  }
0x9f: {  	s4 =	ssub.s32 $0x0, s20;
	[sflag:s22] =	ssyncset.done $0x0  }
0xa0: {  	[sflag:s22] =	ssyncadd.s32 s4;
	_ =	sdelay $0x1  }
0xa1: {  	s23 =	simm.s32 $0x1B8B  }
0xa2: {  	_ =	swait.ge [sflag:s23], $0x1  }
0xa3: {  	[sflag:s23] =	ssyncset.done $0x0  }
0xa4: {  	s25 =	simm.s32 $0x1B8E;
	s24 =	sld [smem:$0x3FFE];
	[sflag:s23] =	ssyncadd.s32 $0xFFFFFFFF  }
0xa5: {  	s26 =	simm.s32 $execute0_lowered;
	[smem:$0x3FD2] =	sst s25  }
0xa6: {  	s5 =	sshll.u32 s26, $0x1;
	_ =	strace $0x80000049;
	[dreg:$0x1] =	wrdreg $0xFFFFFFFF  }
0xa7: {  	s28 =	simm.s32 $_size_execute0_lowered;
	s3 =	sadd.s32 s3, s5;
	[dreg:$0x0] =	wrdreg $0x0  }
0xa8: {  	s5 =	sshll.u32 s28, $0x1;
	[dreg:$0x2] =	wrdreg s3  }
0xa9: {  	[dreg:$0x3] =	wrdreg s5  }
0xaa: {  	[dreg:$0x4] =	wrdreg $0xC0  }
0xab: {  	_ =	task [dreg:s7], $0x5FFFF  }
0xac: {  	[dreg:$0x1] =	wrdreg $0xFFFFFFFF  }
0xad: {  	[dreg:$0x0] =	wrdreg $0x60  }
0xae: {  	[dreg:$0x2] =	wrdreg s2  }
0xaf: {  	[dreg:$0x3] =	wrdreg s24  }
0xb0: {  	[dreg:$0x4] =	wrdreg $0x0  }
0xb1: {  	[dreg:$0x5] =	wrdreg $0x9  }
0xb2: {  	_ =	task.clear_ibuf [dreg:s7], $0x6FFFF;
	_ =	strace $0x90000049  }
0xb3: {  	s29 =	simm.s32 $0x9;
	_ =	strace $0x8000004B  }
0xb4: {  	_ =	swait.ge [sflag:s29], $0x1  }
0xb5: {  	[sflag:s29] =	ssyncadd.s32 $0xFFFFFFFF  }
0xb6: {  	_ =	strace $0x9000004B  }
0xb7: {  	_ =	sfence  }
0xb8: {  	s30 =	sld [smem:$0x0];
	_ =	sdelay $0x2  }
0xb9: {  	s31 =	sshll.u32 s1, $0xD;
	s1 =	sshrl.u32 s1, $0x2  }
0xba: {  	s3 =	sand.u32 $0x4000, s31;
	s1 =	sadd.s32 s1, s30  }
0xbb: {  	s0 =	sor.u32 s3, s0;
	s1 =	sshll.u32 s1, $0x11  }
0xbc: {  	s0 =	sor.u32 s1, s0  }
0xbd: {  	s0 =	sadd.s32 $0x8F2B, s0  }
0xbe: {  	[sflag:s0] =	ssyncadd.remote.s32 $0x1  }
0xbf: {  	_ =	sfence.sel $0xFFFF  }
0xc0: {  	[dreg:$0x0] =	wrdreg $0xFFFFFFFF;
	(pc) =	sbr.abs _section_cstart, $3  }
0xc1: {  	[dreg:$0x1] =	wrdreg $0xFFFFFFFF  }
0xc2: {  	_ =	task.clear_ibuf [dreg:s7], $0x2FFFF;
	_ =	strace $0x9FFFFFFF  }
0xc3: {  	(tm) =	ssettm $0x7FFFFFFF  }
tec
execute0_lowered:
.L_overlay_start_1:
0x0: {  	(tag) =	ssettag $0x1  }
0x1: {  	s1 =	rddreg [dreg:$0x0]  }
0x2: {  	s0 =	rddreg [dreg:$0x1]  }
0x3: {  	s3 =	rddreg [dreg:$0x2];
	s2 =	simm.s32 $0x0  }
0x4: {  	s4 =	stileid.u32;
	s20 =	srdreg.scid;
	s15 =	simm.s32 $0x3  }
0x5: {  	s16 =	simm.s32 $0x16800;
	s19 =	simm.s32 $0x1B800;
	s29 =	simm.s32 $0x0  }
0x6: {  	s30 =	simm.s32 $0x0;
	[smem:$0x7FF] =	sst s2;
	s9 =	smul.u32 $0x14000, s4  }
0x7: {  	s2 =	sand.u32 $0x1, s20;
	s5 =	sadd.s32 $0x3600, s0;
	s8 =	sshrl.u32 s4, $0x3  }
0x8: {  	s6 =	sadd.s32 $0x35800, s0;
	s7 =	sadd.s32 $0x35E00, s0;
	s23 =	smul.u32 $0x50000, s4  }
0x9: {  	s13 =	sshll.u32 s4, $0x7;
	s31 =	sshll.u32 s4, $0x6;
	s10 =	smul.u32 $0x28000, s2  }
0xa: {  	s20 =	simm.s32 $0x1B880;
	_ =	strace $0x8000004A;
	s11 =	smul.u32 $0x14000, s8  }
0xb: {  	s8 =	sadd.s32 $0xD800, s0;
	s12 =	smul.u32 $0x140000, s2;
	s21 =	sand.u32 $0x380, s13  }
0xc: {  	s25 =	ssub.s32 $0x2, s2;
	s2 =	sshll.u32 s2, $0x4;
	s17 =	sor.u32 $0x1C03, s31  }
0xd: {  	s14 =	sshrl.u32 s9, $0x3;
	s26 =	sshrl.u32 s25, $0x1;
	s2 =	sor.u32 s4, s2  }
0xe: {  	s10 =	sadd.s32 s10, s11;
	s22 =	sadd.s32 s14, s0;
	s9 =	sadd.s32 s9, s12  }
0xf: {  	s11 =	sshrl.u32 s23, $0x2;
	s28 =	ssub.s32 s25, s26;
	s14 =	simm.s32 $0x14000  }
0x10: {  	s23 =	simm.s32 $0x19000;
	s25 =	simm.s32 $0x1B900;
	s26 =	simm.s32 $0x2  }
0x11: {  	s10 =	sor.u32 s21, s10;
	s9 =	sshrl.u32 s9, $0x3;
	s18 =	sadd.s32 s11, s3  }
0x12: {  	s13 =	smax.u32 s28, $0x1;
	s21 =	simm.s32 $0x80;
	s10 =	sshrl.u32 s10, $0x3  }
0x13: {  	s24 =	sadd.s32 s9, s0;
	s9 =	sadd.s32 $0x36400, s22;
	s18 =	sshrl.u32 s18, $0x3  }
0x14: {  	s22 =	simm.s32 $0x1B980;
	s0 =	sadd.s32 s10, s0;
	s10 =	smul.u32 $0x51, s2  }
0x15: {  	v0 =	vimm.f32 $0.0e+00;
	s11 =	sadd.s32 $0x68400, s24;
	s24 =	simm.s32 $0x1;
	s12 =	sadd.s32 $0x5E400, s0  }
.LBB2_1:
0x16: {  	s0 =	simm.s32 $0x0  }
0x17: {  	[tilespmem:s14], [sflag:$0x3] =	stream.linear.gather [hbm4b:s6+s0], $0x2800, $0x38;
	[tilespmem:$0x1F980] =	vst v63  }
0x18: {  	_ =	swait.ge [sflag:s15], $0x2800  }
0x19: {  	[sflag:s15] =	ssyncset.done $0x0  }
0x1a: {  	[sflag:s15] =	ssyncadd.s32 $0xFFFFD800  }
0x1b: {  	[tilespmem:s16], [sflag:$0x3] =	stream.linear.gather [hbm4b:s7+s0], $0x2800, $0x38;
	[tilespmem:$0x1F980] =	vst v63  }
0x1c: {  	_ =	swait.ge [sflag:s15], $0x2800  }
0x1d: {  	[sflag:s15] =	ssyncset.done $0x0  }
0x1e: {  	s2 =	simm.s32 $0x100;
	s0 =	simm.s32 $0x0;
	[sflag:s15] =	ssyncadd.s32 $0xFFFFD800  }
.LBB2_2:
0x1f: {  	p0 =	sne.s32 s2, $0x9F00;
	[tilespmem:s0+$0x19030] =	vst v0;
	s28 =	smov.u32 s2;
	s2 =	sadd.s32 $0x100, s2  }
.Ltmp0:
0x20: {  	[tilespmem:s0+$0x19020] =	vst v0;
	(pc) =	sbr.rel @p0 .LBB2_2-.Ltmp0, $3  }
0x21: {  	[tilespmem:s0+$0x19000] =	vst v0  }
0x22: {  	[tilespmem:s0+$0x19010] =	vst v0;
	_ =	sdelay $0x1  }
0x23: {  	s0 =	sshra.s32 s28, $0x2  }
0x24: {  	[tilespmem:s0+$0x19030] =	vst v0  }
0x25: {  	[tilespmem:s0+$0x19020] =	vst v0  }
0x26: {  	[tilespmem:s0+$0x19000] =	vst v0  }
0x27: {  	[tilespmem:s0+$0x19010] =	vst v0  }
0x28: {  	[spmem:s18], [sflag:s17] =	dma.local [hbm:s9], $0x2800  }
0x29: {  	_ =	swait.ge [sflag:s15], $0x2800  }
0x2a: {  	[sflag:s15] =	ssyncset.done $0x0  }
0x2b: {  	[sflag:s15] =	ssyncadd.s32 $0xFFFFD800  }
0x2c: {  	s31 =	simm.s32 $0x0;
	[bflag:$0x0] =	sbarrier.arrive $0xFFFF  }
.LBB2_4:
0x2d: {  	s0 =	sadd.s32 s10, s31  }
0x2e: {  	s0 =	sshll.u32 s0, $0x4  }
0x2f: {  	s2 =	sadd.s32 s1, s0  }
0x30: {  	[tilespmem:s19], [sflag:$0x3] =	stream.linear.gather [hbm4b:s2+s30], $0x80, $0x38;
	[tilespmem:$0x1F980] =	vst v63  }
0x31: {  	_ =	swait.ge [sflag:s15], $0x80  }
0x32: {  	[sflag:s15] =	ssyncset.done $0x0  }
0x33: {  	s0 =	sadd.s32 s5, s0;
	[sflag:s15] =	ssyncadd.s32 $0xFFFFFF80  }
0x34: {  	[tilespmem:s20], [sflag:$0x3] =	stream.linear.gather [hbm4b:s0+s30], $0x80, $0x38;
	[tilespmem:$0x1F980] =	vst v63  }
0x35: {  	_ =	swait.ge [sflag:s15], $0x80  }
0x36: {  	[sflag:s15] =	ssyncset.done $0x0  }
0x37: {  	[sflag:s15] =	ssyncadd.s32 $0xFFFFFF80  }
0x38: {  	[tilespmem:s22], [sflag:$0x1] =	stream.indirect.gather [hbm4b:s8+s21], $0x80, s19, s21, $0xb8;
	[tilespmem:$0x1F980] =	vst v63  }
0x39: {  	v1 =	vld [tilespmem:$0x1B800]  }
0x3a: {  	v2 =	vld [tilespmem:$0x1B880];
	_ =	sdelay $0x6  }
0x3b: {  	v1 =	vld.idx.msk [tilespmem:v1+s14+$0x0], $0xffff  }
0x3c: {  	v3 =	vld.idx.msk [tilespmem:v2+s16+$0x0], $0xffff;
	_ =	sdelay $0x4  }
0x3d: {  	v1 =	vadd.f32 v3, v1;
	_ =	sdelay $0x1  }
0x3e: {  	v3 =	vmul.f32 $2.000000030e-01, v1  }
0x3f: {  	vm0 =	vge.f32 v1, $0.0e+00  }
0x40: {  	v1 =	vsel vm0, v1, v3  }
0x41: {  	v1 =	vmul.f32 $1.442695020e+00, v1;
	_ =	sdelay $0x1  }
0x42: {  	(erf) = vpow2.f32 v1;
	_ =	sdelay $0x8  }
0x43: {  	v1 =	vpop (erf)  }
0x44: {  	[tilespmem:$0x1B900] =	vst v1  }
0x45: {  	[tilespmem:v2+s23+$0x0] =	vst.idx.add.f32.msk $0xffff, v1  }
0x46: {  	v1 =	vld [tilespmem:$0x1B810]  }
0x47: {  	v2 =	vld [tilespmem:$0x1B890];
	_ =	sdelay $0x6  }
0x48: {  	v1 =	vld.idx.msk [tilespmem:v1+s14+$0x0], $0xffff  }
0x49: {  	v3 =	vld.idx.msk [tilespmem:v2+s16+$0x0], $0xffff;
	_ =	sdelay $0x4  }
0x4a: {  	v1 =	vadd.f32 v3, v1;
	_ =	sdelay $0x1  }
0x4b: {  	v3 =	vmul.f32 $2.000000030e-01, v1  }
0x4c: {  	vm9 =	vge.f32 v1, $0.0e+00  }
0x4d: {  	v1 =	vsel vm9, v1, v3  }
0x4e: {  	v1 =	vmul.f32 $1.442695020e+00, v1;
	_ =	sdelay $0x1  }
0x4f: {  	(erf) = vpow2.f32 v1;
	_ =	sdelay $0x8  }
0x50: {  	v1 =	vpop (erf)  }
0x51: {  	[tilespmem:$0x1B910] =	vst v1  }
0x52: {  	[tilespmem:v2+s23+$0x0] =	vst.idx.add.f32.msk $0xffff, v1  }
0x53: {  	v1 =	vld [tilespmem:$0x1B820]  }
0x54: {  	v2 =	vld [tilespmem:$0x1B8A0];
	_ =	sdelay $0x6  }
0x55: {  	v1 =	vld.idx.msk [tilespmem:v1+s14+$0x0], $0xffff  }
0x56: {  	v3 =	vld.idx.msk [tilespmem:v2+s16+$0x0], $0xffff;
	_ =	sdelay $0x4  }
0x57: {  	v1 =	vadd.f32 v3, v1;
	_ =	sdelay $0x1  }
0x58: {  	v3 =	vmul.f32 $2.000000030e-01, v1  }
0x59: {  	vm10 =	vge.f32 v1, $0.0e+00  }
0x5a: {  	v1 =	vsel vm10, v1, v3  }
0x5b: {  	v1 =	vmul.f32 $1.442695020e+00, v1;
	_ =	sdelay $0x1  }
0x5c: {  	(erf) = vpow2.f32 v1;
	_ =	sdelay $0x8  }
0x5d: {  	v1 =	vpop (erf)  }
0x5e: {  	[tilespmem:$0x1B920] =	vst v1  }
0x5f: {  	[tilespmem:v2+s23+$0x0] =	vst.idx.add.f32.msk $0xffff, v1  }
0x60: {  	v1 =	vld [tilespmem:$0x1B830]  }
0x61: {  	v2 =	vld [tilespmem:$0x1B8B0];
	_ =	sdelay $0x6  }
0x62: {  	v1 =	vld.idx.msk [tilespmem:v1+s14+$0x0], $0xffff  }
0x63: {  	v3 =	vld.idx.msk [tilespmem:v2+s16+$0x0], $0xffff;
	_ =	sdelay $0x4  }
0x64: {  	v1 =	vadd.f32 v3, v1;
	_ =	sdelay $0x1  }
0x65: {  	v3 =	vmul.f32 $2.000000030e-01, v1  }
0x66: {  	vm11 =	vge.f32 v1, $0.0e+00  }
0x67: {  	v1 =	vsel vm11, v1, v3  }
0x68: {  	v1 =	vmul.f32 $1.442695020e+00, v1;
	_ =	sdelay $0x1  }
0x69: {  	(erf) = vpow2.f32 v1;
	_ =	sdelay $0x8  }
0x6a: {  	v1 =	vpop (erf)  }
0x6b: {  	[tilespmem:$0x1B930] =	vst v1  }
0x6c: {  	[tilespmem:v2+s23+$0x0] =	vst.idx.add.f32.msk $0xffff, v1  }
0x6d: {  	v1 =	vld [tilespmem:$0x1B840]  }
0x6e: {  	v2 =	vld [tilespmem:$0x1B8C0];
	_ =	sdelay $0x6  }
0x6f: {  	v1 =	vld.idx.msk [tilespmem:v1+s14+$0x0], $0xffff  }
0x70: {  	v3 =	vld.idx.msk [tilespmem:v2+s16+$0x0], $0xffff;
	_ =	sdelay $0x4  }
0x71: {  	v1 =	vadd.f32 v3, v1;
	_ =	sdelay $0x1  }
0x72: {  	v3 =	vmul.f32 $2.000000030e-01, v1  }
0x73: {  	vm12 =	vge.f32 v1, $0.0e+00  }
0x74: {  	v1 =	vsel vm12, v1, v3  }
0x75: {  	v1 =	vmul.f32 $1.442695020e+00, v1;
	_ =	sdelay $0x1  }
0x76: {  	(erf) = vpow2.f32 v1;
	_ =	sdelay $0x8  }
0x77: {  	v1 =	vpop (erf)  }
0x78: {  	[tilespmem:$0x1B940] =	vst v1  }
0x79: {  	[tilespmem:v2+s23+$0x0] =	vst.idx.add.f32.msk $0xffff, v1  }
0x7a: {  	v1 =	vld [tilespmem:$0x1B850]  }
0x7b: {  	v2 =	vld [tilespmem:$0x1B8D0];
	_ =	sdelay $0x6  }
0x7c: {  	v1 =	vld.idx.msk [tilespmem:v1+s14+$0x0], $0xffff  }
0x7d: {  	v3 =	vld.idx.msk [tilespmem:v2+s16+$0x0], $0xffff;
	_ =	sdelay $0x4  }
0x7e: {  	v1 =	vadd.f32 v3, v1;
	_ =	sdelay $0x1  }
0x7f: {  	v3 =	vmul.f32 $2.000000030e-01, v1  }
0x80: {  	vm13 =	vge.f32 v1, $0.0e+00  }
0x81: {  	v1 =	vsel vm13, v1, v3  }
0x82: {  	v1 =	vmul.f32 $1.442695020e+00, v1;
	_ =	sdelay $0x1  }
0x83: {  	(erf) = vpow2.f32 v1;
	_ =	sdelay $0x8  }
0x84: {  	v1 =	vpop (erf)  }
0x85: {  	[tilespmem:$0x1B950] =	vst v1  }
0x86: {  	[tilespmem:v2+s23+$0x0] =	vst.idx.add.f32.msk $0xffff, v1  }
0x87: {  	v1 =	vld [tilespmem:$0x1B860]  }
0x88: {  	v2 =	vld [tilespmem:$0x1B8E0];
	_ =	sdelay $0x6  }
0x89: {  	v1 =	vld.idx.msk [tilespmem:v1+s14+$0x0], $0xffff  }
0x8a: {  	v3 =	vld.idx.msk [tilespmem:v2+s16+$0x0], $0xffff;
	_ =	sdelay $0x4  }
0x8b: {  	v1 =	vadd.f32 v3, v1;
	_ =	sdelay $0x1  }
0x8c: {  	v3 =	vmul.f32 $2.000000030e-01, v1  }
0x8d: {  	vm14 =	vge.f32 v1, $0.0e+00  }
0x8e: {  	v1 =	vsel vm14, v1, v3  }
0x8f: {  	v1 =	vmul.f32 $1.442695020e+00, v1;
	_ =	sdelay $0x1  }
0x90: {  	(erf) = vpow2.f32 v1;
	_ =	sdelay $0x8  }
0x91: {  	v1 =	vpop (erf)  }
0x92: {  	[tilespmem:$0x1B960] =	vst v1  }
0x93: {  	[tilespmem:v2+s23+$0x0] =	vst.idx.add.f32.msk $0xffff, v1  }
0x94: {  	v1 =	vld [tilespmem:$0x1B870]  }
0x95: {  	v2 =	vld [tilespmem:$0x1B8F0];
	_ =	sdelay $0x6  }
0x96: {  	v1 =	vld.idx.msk [tilespmem:v1+s14+$0x0], $0xffff  }
0x97: {  	v3 =	vld.idx.msk [tilespmem:v2+s16+$0x0], $0xffff;
	_ =	sdelay $0x4  }
0x98: {  	v1 =	vadd.f32 v3, v1;
	_ =	sdelay $0x1  }
0x99: {  	v3 =	vmul.f32 $2.000000030e-01, v1  }
0x9a: {  	vm15 =	vge.f32 v1, $0.0e+00  }
0x9b: {  	v1 =	vsel vm15, v1, v3  }
0x9c: {  	v1 =	vmul.f32 $1.442695020e+00, v1;
	_ =	sdelay $0x1  }
0x9d: {  	(erf) = vpow2.f32 v1;
	_ =	sdelay $0x8  }
0x9e: {  	v1 =	vpop (erf)  }
0x9f: {  	[tilespmem:$0x1B970] =	vst v1  }
0xa0: {  	[tilespmem:v2+s23+$0x0] =	vst.idx.add.f32.msk $0xffff, v1  }
0xa1: {  	_ =	swait.ge [sflag:s24], $0x4000  }
0xa2: {  	v1 =	vmov s30;
	[sflag:s24] =	ssyncset.done $0x0  }
0xa3: {  	s0 =	simm.s32 $0x1B9C0;
	[sflag:s24] =	ssyncadd.s32 $0xFFFFC000  }
0xa4: {  	v5 =	vld [tilespmem:s0+$0x30]  }
0xa5: {  	v8 =	vld [tilespmem:s0+$0x10]  }
0xa6: {  	v6 =	vld [tilespmem:s0+$0xFFFFFFC0]  }
0xa7: {  	v2 =	vld.idx.msk [tilespmem:v1+s25+$0x0], $0xffff  }
0xa8: {  	v10 =	vld [tilespmem:s0+$0xFFFFFFE0]  }
0xa9: {  	v3 =	vld [tilespmem:s0+$0x20]  }
0xaa: {  	v4 =	vld [tilespmem:s0+$0xFFFFFFD0]  }
0xab: {  	v1 =	vld [tilespmem:s0+$0xFFFFFFF0]  }
0xac: {  	v9 =	vmul.f32 v5, v2;
	v5 =	vld [tilespmem:s0+$0x0]  }
0xad: {  	v7 =	vmul.f32 v6, v2  }
0xae: {  	s28 =	simm.s32 $0x1B9C0;
	s2 =	simm.s32 $0x1;
	v6 =	vmul.f32 v10, v2;
	v8 =	vmul.f32 v8, v2  }
.LBB2_5:
0xaf: {  	p0 =	sne.s32 s2, $0x7F  }
0xb0: {  	v4 =	vmul.f32 v4, v2;
	v3 =	vmul.f32 v3, v2;
	[tilespmem:s0+$0x30] =	vst v9;
	s28 =	sadd.s32 $0x80, s28;
	s4 =	smov.u32 s2;
	s2 =	sadd.s32 $0x1, s2  }
0xb1: {  	[tilespmem:s0+$0xFFFFFFC0] =	vst v7;
	v7 =	vmul.f32 v1, v2;
	v2 =	vmul.f32 v5, v2  }
0xb2: {  	[tilespmem:s0+$0x10] =	vst v8  }
0xb3: {  	v5 =	vmov s4;
	[tilespmem:s0+$0xFFFFFFE0] =	vst v6  }
0xb4: {  	v1 =	vld [tilespmem:s28+$0xFFFFFFF0];
	[tilespmem:s0+$0xFFFFFFF0] =	vst v7  }
0xb5: {  	v6 =	vld [tilespmem:s28+$0x30];
	[tilespmem:s0+$0x0] =	vst v2  }
0xb6: {  	v8 =	vld [tilespmem:s28+$0x10];
	[tilespmem:s0+$0x20] =	vst v3  }
0xb7: {  	v7 =	vld [tilespmem:s28+$0xFFFFFFC0];
	[tilespmem:s0+$0xFFFFFFD0] =	vst v4;
	s0 =	smov.u32 s28  }
0xb8: {  	v2 =	vld.idx.msk [tilespmem:v5+s25+$0x0], $0xffff  }
0xb9: {  	v10 =	vld [tilespmem:s28+$0xFFFFFFE0]  }
0xba: {  	v3 =	vld [tilespmem:s28+$0x20]  }
.Ltmp1:
0xbb: {  	v4 =	vld [tilespmem:s28+$0xFFFFFFD0];
	(pc) =	sbr.rel @p0 .LBB2_5-.Ltmp1, $3  }
0xbc: {  	v5 =	vld [tilespmem:s28+$0x0];
	_ =	sdelay $0x1  }
0xbd: {  	v7 =	vmul.f32 v7, v2;
	v9 =	vmul.f32 v6, v2  }
0xbe: {  	v8 =	vmul.f32 v8, v2;
	v6 =	vmul.f32 v10, v2  }
0xbf: {  	[tilespmem:s0+$0x30] =	vst v9  }
0xc0: {  	[tilespmem:s0+$0xFFFFFFC0] =	vst v7  }
0xc1: {  	v1 =	vmul.f32 v1, v2;
	[tilespmem:s0+$0x10] =	vst v8  }
0xc2: {  	v3 =	vmul.f32 v3, v2;
	[tilespmem:s0+$0xFFFFFFE0] =	vst v6  }
0xc3: {  	v5 =	vmul.f32 v5, v2;
	[tilespmem:s0+$0xFFFFFFF0] =	vst v1  }
0xc4: {  	s31 =	sadd.s32 $0x1, s31;
	v1 =	vmul.f32 v4, v2;
	[tilespmem:s0+$0x20] =	vst v3  }
0xc5: {  	p0 =	sne.s32 s31, $0x51;
	[tilespmem:s0+$0x0] =	vst v5  }
.Ltmp2:
0xc6: {  	[tilespmem:s0+$0xFFFFFFD0] =	vst v1;
	(pc) =	sbr.rel @p0 .LBB2_4-.Ltmp2, $4  }
0xc7: {  	[spmem:s3] =	stream.indirect.scatter.add.f32 [tilespmem:s22], [sflag:$0x2], $0x80, s20, s21, $0xb8;
	[tilespmem:$0x1F980] =	vst v63  }
0xc8: {  	_ =	swait.ge [sflag:s26], $0x4000  }
0xc9: {  	[sflag:s26] =	ssyncset.done $0x0  }
0xca: {  	[sflag:s26] =	ssyncadd.s32 $0xFFFFC000  }
0xcb: {  	[bflag:$0x0] =	sbarrier.arrive $0xFFFF  }
0xcc: {  	[hbm:s11], [sflag:s17] =	dma.local [spmem:s18], $0x2800  }
0xcd: {  	s29 =	sadd.s32 $0x1, s29;
	_ =	swait.ge [sflag:s15], $0x2800  }
0xce: {  	p0 =	sne.s32 s29, s13;
	[sflag:s15] =	ssyncset.done $0x0  }
.Ltmp3:
0xcf: {  	s0 =	simm.s32 $0x400;
	[sflag:s15] =	ssyncadd.s32 $0xFFFFD800;
	(pc) =	sbr.rel @p0 .LBB2_1-.Ltmp3, $4  }
0xd0: {  	[hbm4b:s12+s21] =	stream.strided.scatter [tilespmem:s23], [sflag:$0x3], $0x2800, s0, s21, $0x38;
	[tilespmem:$0x1F980] =	vst v63  }
0xd1: {  	_ =	swait.ge [sflag:s15], $0x2800  }
0xd2: {  	[sflag:s15] =	ssyncset.done $0x0  }
0xd3: {  	[sflag:s15] =	ssyncadd.s32 $0xFFFFD800  }
0xd4: {  	_ =	sfence.sel $0x180000  }
0xd5: {  	[bflag:$0x0] =	sbarrier.arrive $0xFFFF  }
0xd6: {  	_ =	strace $0x9000004A  }
0xd7: {  	s0 =	stileid.u32;
	[bflag:$0x2] =	sbarrier.arrive $0xFFFF  }
0xd8: {  	p0 =	sne.s32 s0, $0x0;
	s0 =	rddreg [dreg:$0x3]  }
0xd9: {  	s0 =	sadd.s32 @!p0 $0x100000, s0  }
0xda: {  	[sflag:s0] =	ssyncadd.tile.s32 @!p0 $0x1;
	_ =	shalt  }
.Lfunc_end2:
_tile_overlayer_lowered:
.L_overlay_start_2:
0xdb: {  	(tag) =	ssettag $0x2  }
0xdc: {  	s0 =	rddreg [dreg:$0x0];
	s2 =	stileid.u32  }
0xdd: {  	s1 =	rddreg [dreg:$0x1];
	p0 =	sne.s32 s2, $0x0  }
0xde: {  	s3 =	rddreg [dreg:$0x2];
	[bflag:$0x3] =	sbarrier.arrive $0xFFFF;
	s2 =	simm.s32 @!p0 $0x1C03  }
0xdf: {  	[timem:s3], [sflag:s2] =	dma.local @!p0 [hbm:s0], s1  }
0xe0: {  	s0 =	simm.s32 @!p0 $0x3  }
0xe1: {  	_ =	swait.ge @!p0 [sflag:s0], s1  }
0xe2: {  	s1 =	ssub.s32 @!p0 $0x0, s1;
	[sflag:s0] =	ssyncset.done @!p0 $0x0  }
0xe3: {  	[sflag:s0] =	ssyncadd.s32 @!p0 s1  }
0xe4: {  	[bflag:$0x3] =	sbarrier.arrive $0xFFFF  }
0xe5: {  	_ =	shalt  }

// kernel: kernel.7.cloned.1.call-start
scs
__scs_entry_jumppad:
0x0: {  	(pc) =	sbr.rel $0x88, $3  }
0x1: {  	(tag) =	ssettag $0x0;
	lr =	simm.s32 $0x1  }
0x2: {  	[smem:$0x3F91] =	sst lr;
	_ =	strace $0xD0000000  }
0x3: {  	_ = 	snop  }
0x4: {  	_ = 	snop  }
0x5: {  	_ = 	snop  }
0x6: {  	_ = 	snop  }
0x7: {  	_ = 	snop  }
__scs_overlays_trampoline_lowered:
0x8: {  	[smem:$0x3FA0] =	sst s0  }
0x9: {  	[smem:$0x3FA1] =	sst s1  }
0xa: {  	[smem:$0x3FA2] =	sst s2  }
0xb: {  	[smem:$0x3FA3] =	sst s3  }
0xc: {  	[smem:$0x3FA4] =	sst s4  }
0xd: {  	[smem:$0x3FA5] =	sst s5  }
0xe: {  	[smem:$0x3FA6] =	sst s6  }
0xf: {  	[smem:$0x3FA7] =	sst s7  }
0x10: {  	[smem:$0x3FA8] =	sst s8  }
0x11: {  	[smem:$0x3FA9] =	sst s9;
	s0 =	simm.s32 @!p0 $0x0  }
0x12: {  	s1 =	sld [smem:$0x3F8F];
	s0 =	simm.s32 @p0 $0x1  }
0x13: {  	[smem:$0x3FAA] =	sst s0;
	s0 =	simm.s32 @!p1 $0x0  }
0x14: {  	s2 =	sld [smem:$0x3F8E];
	s0 =	simm.s32 @p1 $0x1  }
0x15: {  	[smem:$0x3FAB] =	sst s0;
	s0 =	simm.s32 @!p2 $0x0  }
0x16: {  	s3 =	sld [smem:$0x3FDB];
	s0 =	simm.s32 @p2 $0x1  }
0x17: {  	s4 =	simm.s32 $0x1BF5;
	[smem:$0x3FAD] =	sst s0  }
0x18: {  	s0 =	sld [smem:$0x3F90];
	_ =	swait.ge [sflag:s4], $0x0  }
0x19: {  	s7 =	sld [smem:$0x3F91]  }
0x1a: {  	s8 =	sadd.s32 $0xFFFFE003, lr  }
0x1b: {  	s9 =	sadd.s32 $0xFFFFFEF7, lr;
	s5 =	simm.s32 $0xFFFFFFFF;
	p2 =	slt.u32 s8, $0xFFFFF086  }
0x1c: {  	p1 =	slt.u32 s9, $0xF7A;
	s5 =	simm.s32 @!p2 $0x0  }
0x1d: {  	s5 =	simm.s32 @p1 $0x1;
	p0 =	seq.s32 s7, s2  }
0x1e: {  	s7 =	smul.u32 @!p0 $0xF7A, s2;
	p2 =	seq.s32 @!p0 s5, $0x0  }
0x1f: {  	s9 =	smul.u32 $0xF7A, s1;
	s8 =	simm.s32 @!p0 $0x1BF5;
	p2 =	por !p2, p0  }
0x20: {  	[sflag:s8] =	ssyncset.s32 @!p0 $0xFFFFF086;
	s6 =	sadd.s32 @!p0 s3, s7;
	s7 =	simm.s32 @!p0 $0x108  }
0x21: {  	s3 =	sadd.s32 s3, s9;
	s6 =	sadd.s32 @!p0 $0x88, s6;
	s7 =	simm.s32 @p2 $0x1082  }
0x22: {  	[simem:s7], [sflag:s8] =	dma.local @!p0 [hbm:s6], $0xF7A  }
0x23: {  	s9 =	sor.u32 $0xD0000000, s2;
	s6 =	simm.s32 $0x108;
	_ =	swait.ge @!p0 [sflag:s8], $0x0  }
0x24: {  	s3 =	sadd.s32 $0x88, s3;
	s6 =	simm.s32 @!p1 $0x1082;
	[sflag:s4] =	ssyncset.s32 $0xFFFFF086  }
0x25: {  	[simem:s6], [sflag:s4] =	dma.local [hbm:s3], $0xF7A  }
0x26: {  	[smem:$0x3F91] =	sst s1;
	(tag) =	ssettag s2;
	_ =	strace s9  }
0x27: {  	s1 =	sld [smem:$0x3FA1]  }
0x28: {  	s2 =	sld [smem:$0x3FA2]  }
0x29: {  	s4 =	sld [smem:$0x3FA4]  }
0x2a: {  	p0 =	seq.s32 s5, $0x0;
	s5 =	sld [smem:$0x3FA5]  }
0x2b: {  	s6 =	sld [smem:$0x3FA6]  }
0x2c: {  	s7 =	sld [smem:$0x3FA7]  }
0x2d: {  	s3 =	simm.s32 $0x108;
	s8 =	sld [smem:$0x3FA8]  }
0x2e: {  	s3 =	simm.s32 @!p0 $0x1082;
	s9 =	sld [smem:$0x3FA9]  }
0x2f: {  	lr =	sadd.s32 s0, s3;
	s0 =	sld [smem:$0x3FA0]  }
0x30: {  	s3 =	sld [smem:$0x3FA3]  }
0x31: {  	[smem:$0x3FAC] =	sst s10  }
0x32: {  	s10 =	sld [smem:$0x3FAA];
	_ =	sdelay $0x3  }
0x33: {  	p0 =	seq.s32 s10, $0x1;
	s10 =	sld [smem:$0x3FAC];
	_ =	sdelay $0x3  }
0x34: {  	[smem:$0x3FAC] =	sst s10  }
0x35: {  	s10 =	sld [smem:$0x3FAB];
	_ =	sdelay $0x3  }
0x36: {  	p1 =	seq.s32 s10, $0x1;
	s10 =	sld [smem:$0x3FAC];
	_ =	sdelay $0x3  }
0x37: {  	[smem:$0x3FAC] =	sst s10  }
0x38: {  	s10 =	sld [smem:$0x3FAD]  }
0x39: {  	_ = 	snop;
	(pc) =	sbr.ind lr, $3  }
0x3a: {  	_ = 	snop  }
0x3b: {  	_ = 	snop  }
0x3c: {  	p2 =	seq.s32 s10, $0x1;
	s10 =	sld [smem:$0x3FAC]  }
0x3d: {  	_ =	shalt  }
0x3e: {  	_ =	shalt  }
0x3f: {  	_ =	shalt  }
0x40: {  	_ =	shalt  }
0x41: {  	_ =	shalt  }
0x42: {  	_ =	shalt  }
0x43: {  	_ =	shalt  }
0x44: {  	_ =	shalt  }
0x45: {  	_ =	shalt  }
0x46: {  	_ =	shalt  }
0x47: {  	_ =	shalt  }
0x48: {  	_ =	shalt  }
0x49: {  	_ =	shalt  }
0x4a: {  	_ =	shalt  }
0x4b: {  	_ =	shalt  }
0x4c: {  	_ =	shalt  }
0x4d: {  	_ =	shalt  }
0x4e: {  	_ =	shalt  }
0x4f: {  	_ =	shalt  }
0x50: {  	_ =	shalt  }
0x51: {  	_ =	shalt  }
0x52: {  	_ =	shalt  }
0x53: {  	_ =	shalt  }
0x54: {  	_ =	shalt  }
0x55: {  	_ =	shalt  }
0x56: {  	_ =	shalt  }
0x57: {  	_ =	shalt  }
0x58: {  	_ =	shalt  }
0x59: {  	_ =	shalt  }
0x5a: {  	_ =	shalt  }
0x5b: {  	_ =	shalt  }
0x5c: {  	_ =	shalt  }
0x5d: {  	_ =	shalt  }
0x5e: {  	_ =	shalt  }
0x5f: {  	_ =	shalt  }
0x60: {  	_ =	shalt  }
0x61: {  	_ =	shalt  }
0x62: {  	_ =	shalt  }
0x63: {  	_ =	shalt  }
0x64: {  	_ =	shalt  }
0x65: {  	_ =	shalt  }
0x66: {  	_ =	shalt  }
0x67: {  	_ =	shalt  }
0x68: {  	_ =	shalt  }
0x69: {  	_ =	shalt  }
0x6a: {  	_ =	shalt  }
0x6b: {  	_ =	shalt  }
0x6c: {  	_ =	shalt  }
0x6d: {  	_ =	shalt  }
0x6e: {  	_ =	shalt  }
0x6f: {  	_ =	shalt  }
0x70: {  	_ =	shalt  }
0x71: {  	_ =	shalt  }
0x72: {  	_ =	shalt  }
0x73: {  	_ =	shalt  }
0x74: {  	_ =	shalt  }
0x75: {  	_ =	shalt  }
0x76: {  	_ =	shalt  }
0x77: {  	_ =	shalt  }
0x78: {  	_ =	shalt  }
0x79: {  	_ =	shalt  }
0x7a: {  	_ =	shalt  }
0x7b: {  	_ =	shalt  }
0x7c: {  	_ =	shalt  }
0x7d: {  	_ =	shalt  }
0x7e: {  	_ =	shalt  }
0x7f: {  	_ =	shalt  }
0x80: {  	_ =	shalt  }
0x81: {  	_ =	shalt  }
0x82: {  	_ =	shalt  }
0x83: {  	_ =	shalt  }
0x84: {  	_ =	shalt  }
0x85: {  	_ =	shalt  }
0x86: {  	_ =	shalt  }
0x87: {  	_ =	shalt  }
.Lfunc_end0:
.L_simem_size_0:
called_computation_lowered:
.L_overlay_start_0:
0x88: {  	s2 =	sld [smem:$0x3FD9]  }
0x89: {  	s3 =	sld [smem:$0x3FFE];
	_ =	sdelay $0x1  }
0x8a: {  	s1 =	srdreg.scid  }
0x8b: {  	s0 =	sand.u32 $0x1, s1  }
0x8c: {  	s17 =	sshll.u32 s0, $0xA;
	s2 =	sadd.s32 s3, s2  }
0x8d: {  	s2 =	sadd.s32 s2, s17  }
0x8e: {  	[smem:$0x3FB8] =	sst s2  }
0x8f: {  	_ = 	snop  }
0x90: {  	s2 =	sld [smem:$0x3FD0];
	(tm) =	ssettm $0x1  }
0x91: {  	s18 =	sld [smem:$0x3FFB];
	_ =	sdelay $0x3  }
0x92: {  	_ =	strace s18  }
0x93: {  	s3 =	sld [smem:$0x3FFC];
	_ =	sdelay $0x3  }
0x94: {  	_ =	strace s3  }
0x95: {  	s3 =	sld [smem:$0x3FFD];
	_ =	sdelay $0x3  }
0x96: {  	_ =	strace s3  }
0x97: {  	_ =	strace $0x8FFFFFFF  }
0x98: {  	s19 =	sld [smem:$0x3FDB];
	_ =	sdelay $0x1  }
0x99: {  	s4 =	simm.s32 $_scs_section_size  }
0x9a: {  	s5 =	simm.s32 $_size__tile_overlayer_lowered;
	s6 =	simm.s32 $_tile_overlayer_lowered  }
0x9b: {  	s22 =	simm.s32 $0x1BFF;
	s21 =	sshll.u32 s6, $0x1;
	s3 =	sadd.s32 s4, s19  }
0x9c: {  	s7 =	simm.s32 $0x0;
	s20 =	sshll.u32 s5, $0x1;
	s5 =	sadd.s32 s21, s3  }
0x9d: {  	[timem:s7], [sflag:s22] =	dma.local [hbm:s5], s20  }
0x9e: {  	_ =	swait.ge [sflag:s22], s20  }
0x9f: {  	s4 =	ssub.s32 $0x0, s20;
	[sflag:s22] =	ssyncset.done $0x0  }
0xa0: {  	[sflag:s22] =	ssyncadd.s32 s4;
	_ =	sdelay $0x1  }
0xa1: {  	s23 =	simm.s32 $0x1B8B  }
0xa2: {  	_ =	swait.ge [sflag:s23], $0x1  }
0xa3: {  	[sflag:s23] =	ssyncset.done $0x0  }
0xa4: {  	s25 =	simm.s32 $0x1B8E;
	s24 =	sld [smem:$0x3FFE];
	[sflag:s23] =	ssyncadd.s32 $0xFFFFFFFF  }
0xa5: {  	s26 =	simm.s32 $execute0_lowered;
	[smem:$0x3FD2] =	sst s25  }
0xa6: {  	s5 =	sshll.u32 s26, $0x1;
	_ =	strace $0x80000046;
	[dreg:$0x1] =	wrdreg $0xFFFFFFFF  }
0xa7: {  	s28 =	simm.s32 $_size_execute0_lowered;
	s3 =	sadd.s32 s3, s5;
	[dreg:$0x0] =	wrdreg $0x0  }
0xa8: {  	s5 =	sshll.u32 s28, $0x1;
	[dreg:$0x2] =	wrdreg s3  }
0xa9: {  	[dreg:$0x3] =	wrdreg s5  }
0xaa: {  	[dreg:$0x4] =	wrdreg $0xC0  }
0xab: {  	_ =	task [dreg:s7], $0x5FFFF  }
0xac: {  	[dreg:$0x1] =	wrdreg $0xFFFFFFFF  }
0xad: {  	[dreg:$0x0] =	wrdreg $0x60  }
0xae: {  	[dreg:$0x2] =	wrdreg s2  }
0xaf: {  	[dreg:$0x3] =	wrdreg s24  }
0xb0: {  	[dreg:$0x4] =	wrdreg $0x0  }
0xb1: {  	[dreg:$0x5] =	wrdreg $0x9  }
0xb2: {  	_ =	task.clear_ibuf [dreg:s7], $0x6FFFF;
	_ =	strace $0x90000046  }
0xb3: {  	s29 =	simm.s32 $0x9;
	_ =	strace $0x80000048  }
0xb4: {  	_ =	swait.ge [sflag:s29], $0x1  }
0xb5: {  	[sflag:s29] =	ssyncadd.s32 $0xFFFFFFFF  }
0xb6: {  	_ =	strace $0x90000048  }
0xb7: {  	_ =	sfence  }
0xb8: {  	s30 =	sld [smem:$0x0];
	_ =	sdelay $0x2  }
0xb9: {  	s31 =	sshll.u32 s1, $0xD;
	s1 =	sshrl.u32 s1, $0x2  }
0xba: {  	s3 =	sand.u32 $0x4000, s31;
	s1 =	sadd.s32 s1, s30  }
0xbb: {  	s0 =	sor.u32 s3, s0;
	s1 =	sshll.u32 s1, $0x11  }
0xbc: {  	s0 =	sor.u32 s1, s0  }
0xbd: {  	s0 =	sadd.s32 $0x8F2B, s0  }
0xbe: {  	[sflag:s0] =	ssyncadd.remote.s32 $0x1  }
0xbf: {  	_ =	sfence.sel $0xFFFF  }
0xc0: {  	[dreg:$0x0] =	wrdreg $0xFFFFFFFF;
	(pc) =	sbr.abs _section_cstart, $3  }
0xc1: {  	[dreg:$0x1] =	wrdreg $0xFFFFFFFF  }
0xc2: {  	_ =	task.clear_ibuf [dreg:s7], $0x2FFFF;
	_ =	strace $0x9FFFFFFF  }
0xc3: {  	(tm) =	ssettm $0x7FFFFFFF  }
tec
execute0_lowered:
.L_overlay_start_1:
0x0: {  	(tag) =	ssettag $0x1  }
0x1: {  	s1 =	rddreg [dreg:$0x0]  }
0x2: {  	s0 =	rddreg [dreg:$0x1]  }
0x3: {  	s3 =	rddreg [dreg:$0x2];
	s2 =	simm.s32 $0x0  }
0x4: {  	s4 =	stileid.u32;
	s20 =	srdreg.scid;
	s15 =	simm.s32 $0x3  }
0x5: {  	s16 =	simm.s32 $0x16800;
	s19 =	simm.s32 $0x1B800;
	s29 =	simm.s32 $0x0  }
0x6: {  	s30 =	simm.s32 $0x0;
	[smem:$0x7FF] =	sst s2;
	s9 =	smul.u32 $0x14000, s4  }
0x7: {  	s2 =	sand.u32 $0x1, s20;
	s5 =	sadd.s32 $0x3600, s0;
	s8 =	sshrl.u32 s4, $0x3  }
0x8: {  	s6 =	sadd.s32 $0x35800, s0;
	s7 =	sadd.s32 $0x35E00, s0;
	s23 =	smul.u32 $0x50000, s4  }
0x9: {  	s13 =	sshll.u32 s4, $0x7;
	s31 =	sshll.u32 s4, $0x6;
	s10 =	smul.u32 $0x28000, s2  }
0xa: {  	s20 =	simm.s32 $0x1B880;
	_ =	strace $0x80000047;
	s11 =	smul.u32 $0x14000, s8  }
0xb: {  	s8 =	sadd.s32 $0xD800, s0;
	s12 =	smul.u32 $0x140000, s2;
	s21 =	sand.u32 $0x380, s13  }
0xc: {  	s25 =	ssub.s32 $0x2, s2;
	s2 =	sshll.u32 s2, $0x4;
	s17 =	sor.u32 $0x1C03, s31  }
0xd: {  	s14 =	sshrl.u32 s9, $0x3;
	s26 =	sshrl.u32 s25, $0x1;
	s2 =	sor.u32 s4, s2  }
0xe: {  	s10 =	sadd.s32 s10, s11;
	s22 =	sadd.s32 s14, s0;
	s9 =	sadd.s32 s9, s12  }
0xf: {  	s11 =	sshrl.u32 s23, $0x2;
	s28 =	ssub.s32 s25, s26;
	s14 =	simm.s32 $0x14000  }
0x10: {  	s23 =	simm.s32 $0x19000;
	s25 =	simm.s32 $0x1B900;
	s26 =	simm.s32 $0x2  }
0x11: {  	s10 =	sor.u32 s21, s10;
	s9 =	sshrl.u32 s9, $0x3;
	s18 =	sadd.s32 s11, s3  }
0x12: {  	s13 =	smax.u32 s28, $0x1;
	s21 =	simm.s32 $0x80;
	s10 =	sshrl.u32 s10, $0x3  }
0x13: {  	s24 =	sadd.s32 s9, s0;
	s9 =	sadd.s32 $0x36400, s22;
	s18 =	sshrl.u32 s18, $0x3  }
0x14: {  	s22 =	simm.s32 $0x1B980;
	s0 =	sadd.s32 s10, s0;
	s10 =	smul.u32 $0x51, s2  }
0x15: {  	v0 =	vimm.f32 $0.0e+00;
	s11 =	sadd.s32 $0x68400, s24;
	s24 =	simm.s32 $0x1;
	s12 =	sadd.s32 $0x5E400, s0  }
.LBB2_1:
0x16: {  	s0 =	simm.s32 $0x0  }
0x17: {  	[tilespmem:s14], [sflag:$0x3] =	stream.linear.gather [hbm4b:s6+s0], $0x2800, $0x38;
	[tilespmem:$0x1F980] =	vst v63  }
0x18: {  	_ =	swait.ge [sflag:s15], $0x2800  }
0x19: {  	[sflag:s15] =	ssyncset.done $0x0  }
0x1a: {  	[sflag:s15] =	ssyncadd.s32 $0xFFFFD800  }
0x1b: {  	[tilespmem:s16], [sflag:$0x3] =	stream.linear.gather [hbm4b:s7+s0], $0x2800, $0x38;
	[tilespmem:$0x1F980] =	vst v63  }
0x1c: {  	_ =	swait.ge [sflag:s15], $0x2800  }
0x1d: {  	[sflag:s15] =	ssyncset.done $0x0  }
0x1e: {  	s2 =	simm.s32 $0x100;
	s0 =	simm.s32 $0x0;
	[sflag:s15] =	ssyncadd.s32 $0xFFFFD800  }
.LBB2_2:
0x1f: {  	p0 =	sne.s32 s2, $0x9F00;
	[tilespmem:s0+$0x19030] =	vst v0;
	s28 =	smov.u32 s2;
	s2 =	sadd.s32 $0x100, s2  }
.Ltmp0:
0x20: {  	[tilespmem:s0+$0x19020] =	vst v0;
	(pc) =	sbr.rel @p0 .LBB2_2-.Ltmp0, $3  }
0x21: {  	[tilespmem:s0+$0x19000] =	vst v0  }
0x22: {  	[tilespmem:s0+$0x19010] =	vst v0;
	_ =	sdelay $0x1  }
0x23: {  	s0 =	sshra.s32 s28, $0x2  }
0x24: {  	[tilespmem:s0+$0x19030] =	vst v0  }
0x25: {  	[tilespmem:s0+$0x19020] =	vst v0  }
0x26: {  	[tilespmem:s0+$0x19000] =	vst v0  }
0x27: {  	[tilespmem:s0+$0x19010] =	vst v0  }
0x28: {  	[spmem:s18], [sflag:s17] =	dma.local [hbm:s9], $0x2800  }
0x29: {  	_ =	swait.ge [sflag:s15], $0x2800  }
0x2a: {  	[sflag:s15] =	ssyncset.done $0x0  }
0x2b: {  	[sflag:s15] =	ssyncadd.s32 $0xFFFFD800  }
0x2c: {  	s31 =	simm.s32 $0x0;
	[bflag:$0x0] =	sbarrier.arrive $0xFFFF  }
.LBB2_4:
0x2d: {  	s0 =	sadd.s32 s10, s31  }
0x2e: {  	s0 =	sshll.u32 s0, $0x4  }
0x2f: {  	s2 =	sadd.s32 s1, s0  }
0x30: {  	[tilespmem:s19], [sflag:$0x3] =	stream.linear.gather [hbm4b:s2+s30], $0x80, $0x38;
	[tilespmem:$0x1F980] =	vst v63  }
0x31: {  	_ =	swait.ge [sflag:s15], $0x80  }
0x32: {  	[sflag:s15] =	ssyncset.done $0x0  }
0x33: {  	s0 =	sadd.s32 s5, s0;
	[sflag:s15] =	ssyncadd.s32 $0xFFFFFF80  }
0x34: {  	[tilespmem:s20], [sflag:$0x3] =	stream.linear.gather [hbm4b:s0+s30], $0x80, $0x38;
	[tilespmem:$0x1F980] =	vst v63  }
0x35: {  	_ =	swait.ge [sflag:s15], $0x80  }
0x36: {  	[sflag:s15] =	ssyncset.done $0x0  }
0x37: {  	[sflag:s15] =	ssyncadd.s32 $0xFFFFFF80  }
0x38: {  	[tilespmem:s22], [sflag:$0x1] =	stream.indirect.gather [hbm4b:s8+s21], $0x80, s19, s21, $0xb8;
	[tilespmem:$0x1F980] =	vst v63  }
0x39: {  	v1 =	vld [tilespmem:$0x1B800]  }
0x3a: {  	v2 =	vld [tilespmem:$0x1B880];
	_ =	sdelay $0x6  }
0x3b: {  	v1 =	vld.idx.msk [tilespmem:v1+s14+$0x0], $0xffff  }
0x3c: {  	v3 =	vld.idx.msk [tilespmem:v2+s16+$0x0], $0xffff;
	_ =	sdelay $0x4  }
0x3d: {  	v1 =	vadd.f32 v3, v1;
	_ =	sdelay $0x1  }
0x3e: {  	v3 =	vmul.f32 $2.000000030e-01, v1  }
0x3f: {  	vm0 =	vge.f32 v1, $0.0e+00  }
0x40: {  	v1 =	vsel vm0, v1, v3  }
0x41: {  	v1 =	vmul.f32 $1.442695020e+00, v1;
	_ =	sdelay $0x1  }
0x42: {  	(erf) = vpow2.f32 v1;
	_ =	sdelay $0x8  }
0x43: {  	v1 =	vpop (erf)  }
0x44: {  	[tilespmem:$0x1B900] =	vst v1  }
0x45: {  	[tilespmem:v2+s23+$0x0] =	vst.idx.add.f32.msk $0xffff, v1  }
0x46: {  	v1 =	vld [tilespmem:$0x1B810]  }
0x47: {  	v2 =	vld [tilespmem:$0x1B890];
	_ =	sdelay $0x6  }
0x48: {  	v1 =	vld.idx.msk [tilespmem:v1+s14+$0x0], $0xffff  }
0x49: {  	v3 =	vld.idx.msk [tilespmem:v2+s16+$0x0], $0xffff;
	_ =	sdelay $0x4  }
0x4a: {  	v1 =	vadd.f32 v3, v1;
	_ =	sdelay $0x1  }
0x4b: {  	v3 =	vmul.f32 $2.000000030e-01, v1  }
0x4c: {  	vm9 =	vge.f32 v1, $0.0e+00  }
0x4d: {  	v1 =	vsel vm9, v1, v3  }
0x4e: {  	v1 =	vmul.f32 $1.442695020e+00, v1;
	_ =	sdelay $0x1  }
0x4f: {  	(erf) = vpow2.f32 v1;
	_ =	sdelay $0x8  }
0x50: {  	v1 =	vpop (erf)  }
0x51: {  	[tilespmem:$0x1B910] =	vst v1  }
0x52: {  	[tilespmem:v2+s23+$0x0] =	vst.idx.add.f32.msk $0xffff, v1  }
0x53: {  	v1 =	vld [tilespmem:$0x1B820]  }
0x54: {  	v2 =	vld [tilespmem:$0x1B8A0];
	_ =	sdelay $0x6  }
0x55: {  	v1 =	vld.idx.msk [tilespmem:v1+s14+$0x0], $0xffff  }
0x56: {  	v3 =	vld.idx.msk [tilespmem:v2+s16+$0x0], $0xffff;
	_ =	sdelay $0x4  }
0x57: {  	v1 =	vadd.f32 v3, v1;
	_ =	sdelay $0x1  }
0x58: {  	v3 =	vmul.f32 $2.000000030e-01, v1  }
0x59: {  	vm10 =	vge.f32 v1, $0.0e+00  }
0x5a: {  	v1 =	vsel vm10, v1, v3  }
0x5b: {  	v1 =	vmul.f32 $1.442695020e+00, v1;
	_ =	sdelay $0x1  }
0x5c: {  	(erf) = vpow2.f32 v1;
	_ =	sdelay $0x8  }
0x5d: {  	v1 =	vpop (erf)  }
0x5e: {  	[tilespmem:$0x1B920] =	vst v1  }
0x5f: {  	[tilespmem:v2+s23+$0x0] =	vst.idx.add.f32.msk $0xffff, v1  }
0x60: {  	v1 =	vld [tilespmem:$0x1B830]  }
0x61: {  	v2 =	vld [tilespmem:$0x1B8B0];
	_ =	sdelay $0x6  }
0x62: {  	v1 =	vld.idx.msk [tilespmem:v1+s14+$0x0], $0xffff  }
0x63: {  	v3 =	vld.idx.msk [tilespmem:v2+s16+$0x0], $0xffff;
	_ =	sdelay $0x4  }
0x64: {  	v1 =	vadd.f32 v3, v1;
	_ =	sdelay $0x1  }
0x65: {  	v3 =	vmul.f32 $2.000000030e-01, v1  }
0x66: {  	vm11 =	vge.f32 v1, $0.0e+00  }
0x67: {  	v1 =	vsel vm11, v1, v3  }
0x68: {  	v1 =	vmul.f32 $1.442695020e+00, v1;
	_ =	sdelay $0x1  }
0x69: {  	(erf) = vpow2.f32 v1;
	_ =	sdelay $0x8  }
0x6a: {  	v1 =	vpop (erf)  }
0x6b: {  	[tilespmem:$0x1B930] =	vst v1  }
0x6c: {  	[tilespmem:v2+s23+$0x0] =	vst.idx.add.f32.msk $0xffff, v1  }
0x6d: {  	v1 =	vld [tilespmem:$0x1B840]  }
0x6e: {  	v2 =	vld [tilespmem:$0x1B8C0];
	_ =	sdelay $0x6  }
0x6f: {  	v1 =	vld.idx.msk [tilespmem:v1+s14+$0x0], $0xffff  }
0x70: {  	v3 =	vld.idx.msk [tilespmem:v2+s16+$0x0], $0xffff;
	_ =	sdelay $0x4  }
0x71: {  	v1 =	vadd.f32 v3, v1;
	_ =	sdelay $0x1  }
0x72: {  	v3 =	vmul.f32 $2.000000030e-01, v1  }
0x73: {  	vm12 =	vge.f32 v1, $0.0e+00  }
0x74: {  	v1 =	vsel vm12, v1, v3  }
0x75: {  	v1 =	vmul.f32 $1.442695020e+00, v1;
	_ =	sdelay $0x1  }
0x76: {  	(erf) = vpow2.f32 v1;
	_ =	sdelay $0x8  }
0x77: {  	v1 =	vpop (erf)  }
0x78: {  	[tilespmem:$0x1B940] =	vst v1  }
0x79: {  	[tilespmem:v2+s23+$0x0] =	vst.idx.add.f32.msk $0xffff, v1  }
0x7a: {  	v1 =	vld [tilespmem:$0x1B850]  }
0x7b: {  	v2 =	vld [tilespmem:$0x1B8D0];
	_ =	sdelay $0x6  }
0x7c: {  	v1 =	vld.idx.msk [tilespmem:v1+s14+$0x0], $0xffff  }
0x7d: {  	v3 =	vld.idx.msk [tilespmem:v2+s16+$0x0], $0xffff;
	_ =	sdelay $0x4  }
0x7e: {  	v1 =	vadd.f32 v3, v1;
	_ =	sdelay $0x1  }
0x7f: {  	v3 =	vmul.f32 $2.000000030e-01, v1  }
0x80: {  	vm13 =	vge.f32 v1, $0.0e+00  }
0x81: {  	v1 =	vsel vm13, v1, v3  }
0x82: {  	v1 =	vmul.f32 $1.442695020e+00, v1;
	_ =	sdelay $0x1  }
0x83: {  	(erf) = vpow2.f32 v1;
	_ =	sdelay $0x8  }
0x84: {  	v1 =	vpop (erf)  }
0x85: {  	[tilespmem:$0x1B950] =	vst v1  }
0x86: {  	[tilespmem:v2+s23+$0x0] =	vst.idx.add.f32.msk $0xffff, v1  }
0x87: {  	v1 =	vld [tilespmem:$0x1B860]  }
0x88: {  	v2 =	vld [tilespmem:$0x1B8E0];
	_ =	sdelay $0x6  }
0x89: {  	v1 =	vld.idx.msk [tilespmem:v1+s14+$0x0], $0xffff  }
0x8a: {  	v3 =	vld.idx.msk [tilespmem:v2+s16+$0x0], $0xffff;
	_ =	sdelay $0x4  }
0x8b: {  	v1 =	vadd.f32 v3, v1;
	_ =	sdelay $0x1  }
0x8c: {  	v3 =	vmul.f32 $2.000000030e-01, v1  }
0x8d: {  	vm14 =	vge.f32 v1, $0.0e+00  }
0x8e: {  	v1 =	vsel vm14, v1, v3  }
0x8f: {  	v1 =	vmul.f32 $1.442695020e+00, v1;
	_ =	sdelay $0x1  }
0x90: {  	(erf) = vpow2.f32 v1;
	_ =	sdelay $0x8  }
0x91: {  	v1 =	vpop (erf)  }
0x92: {  	[tilespmem:$0x1B960] =	vst v1  }
0x93: {  	[tilespmem:v2+s23+$0x0] =	vst.idx.add.f32.msk $0xffff, v1  }
0x94: {  	v1 =	vld [tilespmem:$0x1B870]  }
0x95: {  	v2 =	vld [tilespmem:$0x1B8F0];
	_ =	sdelay $0x6  }
0x96: {  	v1 =	vld.idx.msk [tilespmem:v1+s14+$0x0], $0xffff  }
0x97: {  	v3 =	vld.idx.msk [tilespmem:v2+s16+$0x0], $0xffff;
	_ =	sdelay $0x4  }
0x98: {  	v1 =	vadd.f32 v3, v1;
	_ =	sdelay $0x1  }
0x99: {  	v3 =	vmul.f32 $2.000000030e-01, v1  }
0x9a: {  	vm15 =	vge.f32 v1, $0.0e+00  }
0x9b: {  	v1 =	vsel vm15, v1, v3  }
0x9c: {  	v1 =	vmul.f32 $1.442695020e+00, v1;
	_ =	sdelay $0x1  }
0x9d: {  	(erf) = vpow2.f32 v1;
	_ =	sdelay $0x8  }
0x9e: {  	v1 =	vpop (erf)  }
0x9f: {  	[tilespmem:$0x1B970] =	vst v1  }
0xa0: {  	[tilespmem:v2+s23+$0x0] =	vst.idx.add.f32.msk $0xffff, v1  }
0xa1: {  	_ =	swait.ge [sflag:s24], $0x4000  }
0xa2: {  	v1 =	vmov s30;
	[sflag:s24] =	ssyncset.done $0x0  }
0xa3: {  	s0 =	simm.s32 $0x1B9C0;
	[sflag:s24] =	ssyncadd.s32 $0xFFFFC000  }
0xa4: {  	v5 =	vld [tilespmem:s0+$0x30]  }
0xa5: {  	v8 =	vld [tilespmem:s0+$0x10]  }
0xa6: {  	v6 =	vld [tilespmem:s0+$0xFFFFFFC0]  }
0xa7: {  	v2 =	vld.idx.msk [tilespmem:v1+s25+$0x0], $0xffff  }
0xa8: {  	v10 =	vld [tilespmem:s0+$0xFFFFFFE0]  }
0xa9: {  	v3 =	vld [tilespmem:s0+$0x20]  }
0xaa: {  	v4 =	vld [tilespmem:s0+$0xFFFFFFD0]  }
0xab: {  	v1 =	vld [tilespmem:s0+$0xFFFFFFF0]  }
0xac: {  	v9 =	vmul.f32 v5, v2;
	v5 =	vld [tilespmem:s0+$0x0]  }
0xad: {  	v7 =	vmul.f32 v6, v2  }
0xae: {  	s28 =	simm.s32 $0x1B9C0;
	s2 =	simm.s32 $0x1;
	v6 =	vmul.f32 v10, v2;
	v8 =	vmul.f32 v8, v2  }
.LBB2_5:
0xaf: {  	p0 =	sne.s32 s2, $0x7F  }
0xb0: {  	v4 =	vmul.f32 v4, v2;
	v3 =	vmul.f32 v3, v2;
	[tilespmem:s0+$0x30] =	vst v9;
	s28 =	sadd.s32 $0x80, s28;
	s4 =	smov.u32 s2;
	s2 =	sadd.s32 $0x1, s2  }
0xb1: {  	[tilespmem:s0+$0xFFFFFFC0] =	vst v7;
	v7 =	vmul.f32 v1, v2;
	v2 =	vmul.f32 v5, v2  }
0xb2: {  	[tilespmem:s0+$0x10] =	vst v8  }
0xb3: {  	v5 =	vmov s4;
	[tilespmem:s0+$0xFFFFFFE0] =	vst v6  }
0xb4: {  	v1 =	vld [tilespmem:s28+$0xFFFFFFF0];
	[tilespmem:s0+$0xFFFFFFF0] =	vst v7  }
0xb5: {  	v6 =	vld [tilespmem:s28+$0x30];
	[tilespmem:s0+$0x0] =	vst v2  }
0xb6: {  	v8 =	vld [tilespmem:s28+$0x10];
	[tilespmem:s0+$0x20] =	vst v3  }
0xb7: {  	v7 =	vld [tilespmem:s28+$0xFFFFFFC0];
	[tilespmem:s0+$0xFFFFFFD0] =	vst v4;
	s0 =	smov.u32 s28  }
0xb8: {  	v2 =	vld.idx.msk [tilespmem:v5+s25+$0x0], $0xffff  }
0xb9: {  	v10 =	vld [tilespmem:s28+$0xFFFFFFE0]  }
0xba: {  	v3 =	vld [tilespmem:s28+$0x20]  }
.Ltmp1:
0xbb: {  	v4 =	vld [tilespmem:s28+$0xFFFFFFD0];
	(pc) =	sbr.rel @p0 .LBB2_5-.Ltmp1, $3  }
0xbc: {  	v5 =	vld [tilespmem:s28+$0x0];
	_ =	sdelay $0x1  }
0xbd: {  	v7 =	vmul.f32 v7, v2;
	v9 =	vmul.f32 v6, v2  }
0xbe: {  	v8 =	vmul.f32 v8, v2;
	v6 =	vmul.f32 v10, v2  }
0xbf: {  	[tilespmem:s0+$0x30] =	vst v9  }
0xc0: {  	[tilespmem:s0+$0xFFFFFFC0] =	vst v7  }
0xc1: {  	v1 =	vmul.f32 v1, v2;
	[tilespmem:s0+$0x10] =	vst v8  }
0xc2: {  	v3 =	vmul.f32 v3, v2;
	[tilespmem:s0+$0xFFFFFFE0] =	vst v6  }
0xc3: {  	v5 =	vmul.f32 v5, v2;
	[tilespmem:s0+$0xFFFFFFF0] =	vst v1  }
0xc4: {  	s31 =	sadd.s32 $0x1, s31;
	v1 =	vmul.f32 v4, v2;
	[tilespmem:s0+$0x20] =	vst v3  }
0xc5: {  	p0 =	sne.s32 s31, $0x51;
	[tilespmem:s0+$0x0] =	vst v5  }
.Ltmp2:
0xc6: {  	[tilespmem:s0+$0xFFFFFFD0] =	vst v1;
	(pc) =	sbr.rel @p0 .LBB2_4-.Ltmp2, $4  }
0xc7: {  	[spmem:s3] =	stream.indirect.scatter.add.f32 [tilespmem:s22], [sflag:$0x2], $0x80, s20, s21, $0xb8;
	[tilespmem:$0x1F980] =	vst v63  }
0xc8: {  	_ =	swait.ge [sflag:s26], $0x4000  }
0xc9: {  	[sflag:s26] =	ssyncset.done $0x0  }
0xca: {  	[sflag:s26] =	ssyncadd.s32 $0xFFFFC000  }
0xcb: {  	[bflag:$0x0] =	sbarrier.arrive $0xFFFF  }
0xcc: {  	[hbm:s11], [sflag:s17] =	dma.local [spmem:s18], $0x2800  }
0xcd: {  	s29 =	sadd.s32 $0x1, s29;
	_ =	swait.ge [sflag:s15], $0x2800  }
0xce: {  	p0 =	sne.s32 s29, s13;
	[sflag:s15] =	ssyncset.done $0x0  }
.Ltmp3:
0xcf: {  	s0 =	simm.s32 $0x400;
	[sflag:s15] =	ssyncadd.s32 $0xFFFFD800;
	(pc) =	sbr.rel @p0 .LBB2_1-.Ltmp3, $4  }
0xd0: {  	[hbm4b:s12+s21] =	stream.strided.scatter [tilespmem:s23], [sflag:$0x3], $0x2800, s0, s21, $0x38;
	[tilespmem:$0x1F980] =	vst v63  }
0xd1: {  	_ =	swait.ge [sflag:s15], $0x2800  }
0xd2: {  	[sflag:s15] =	ssyncset.done $0x0  }
0xd3: {  	[sflag:s15] =	ssyncadd.s32 $0xFFFFD800  }
0xd4: {  	_ =	sfence.sel $0x180000  }
0xd5: {  	[bflag:$0x0] =	sbarrier.arrive $0xFFFF  }
0xd6: {  	_ =	strace $0x90000047  }
0xd7: {  	s0 =	stileid.u32;
	[bflag:$0x2] =	sbarrier.arrive $0xFFFF  }
0xd8: {  	p0 =	sne.s32 s0, $0x0;
	s0 =	rddreg [dreg:$0x3]  }
0xd9: {  	s0 =	sadd.s32 @!p0 $0x100000, s0  }
0xda: {  	[sflag:s0] =	ssyncadd.tile.s32 @!p0 $0x1;
	_ =	shalt  }
.Lfunc_end2:
_tile_overlayer_lowered:
.L_overlay_start_2:
0xdb: {  	(tag) =	ssettag $0x2  }
0xdc: {  	s0 =	rddreg [dreg:$0x0];
	s2 =	stileid.u32  }
0xdd: {  	s1 =	rddreg [dreg:$0x1];
	p0 =	sne.s32 s2, $0x0  }
0xde: {  	s3 =	rddreg [dreg:$0x2];
	[bflag:$0x3] =	sbarrier.arrive $0xFFFF;
	s2 =	simm.s32 @!p0 $0x1C03  }
0xdf: {  	[timem:s3], [sflag:s2] =	dma.local @!p0 [hbm:s0], s1  }
0xe0: {  	s0 =	simm.s32 @!p0 $0x3  }
0xe1: {  	_ =	swait.ge @!p0 [sflag:s0], s1  }
0xe2: {  	s1 =	ssub.s32 @!p0 $0x0, s1;
	[sflag:s0] =	ssyncset.done @!p0 $0x0  }
0xe3: {  	[sflag:s0] =	ssyncadd.s32 @!p0 s1  }
0xe4: {  	[bflag:$0x3] =	sbarrier.arrive $0xFFFF  }
0xe5: {  	_ =	shalt  }

</sc_bundles>
